<compile_context>
chip_gen: v7x
topology: tpu7x:2x2x1
jax: 0.10.2.dev20260603
libtpu: 0.0.44.dev20260713+nightly
codegen_flags: <defaults>
</compile_context>

<pallas_src>
import functools

import jax
import jax.numpy as jnp
from jax import lax
from jax.experimental import pallas as pl
from jax.experimental.pallas import tpu as pltpu
from jax.experimental.pallas import tpu_sc as plsc

V = 100000
D = 300
DP = 384
B = 1024
CTX = 20
MAX_NORM = 1.0

NC = 2
NS = 16
NW = NC * NS
R = B * CTX
ROWS_PER_W = R // NW
CHUNK = 128
NCHUNK = ROWS_PER_W // CHUNK

CV = 2048


def _transpose_kernel(t_ref, o_ref):
    t = t_ref[...]
    o_ref[:, 0:D] = t.T
    o_ref[:, D:DP] = jnp.zeros((o_ref.shape[0], DP - D), jnp.float32)


def _tc_transpose(tT):
    return pl.pallas_call(
        _transpose_kernel,
        grid=(pl.cdiv(V, CV),),
        in_specs=[pl.BlockSpec((D, CV), lambda j: (0, j))],
        out_specs=pl.BlockSpec((CV, DP), lambda j: (j, 0)),
        out_shape=jax.ShapeDtypeStruct((V, DP), jnp.float32),
    )(tT)


def _sc_gather(table, idx):
    mesh = plsc.VectorSubcoreMesh(
        core_axis_name="c", subcore_axis_name="s", num_cores=NC, num_subcores=NS
    )

    @functools.partial(
        pl.kernel,
        out_type=jax.ShapeDtypeStruct((R, DP), jnp.float32),
        mesh=mesh,
        scratch_types=[
            pltpu.VMEM((CHUNK,), jnp.int32),
            pltpu.VMEM((CHUNK, DP), jnp.float32),
            pltpu.VMEM((CHUNK, DP), jnp.float32),
            pltpu.SemaphoreType.DMA,
            pltpu.SemaphoreType.DMA,
        ],
    )
    def gather_kernel(table_hbm, idx_hbm, e_hbm, idx_v, rows_a, rows_b, sem_a, sem_b):
        wid = lax.axis_index("s") * NC + lax.axis_index("c")
        base = wid * ROWS_PER_W
        rows = (rows_a, rows_b)
        sems = (sem_a, sem_b)
        for i in range(NCHUNK):
            off = base + i * CHUNK
            pltpu.sync_copy(idx_hbm.at[pl.ds(off, CHUNK)], idx_v)
            cp = pltpu.async_copy(table_hbm.at[idx_v], rows[i % 2], sems[i % 2])
            cp.wait()
            pltpu.sync_copy(rows[i % 2], e_hbm.at[pl.ds(off, CHUNK)])

    return gather_kernel(table, idx)


def _pool_kernel(e_ref, x_ref):
    e = e_ref[...]
    ss = jnp.sum(e * e, axis=2, keepdims=True)
    norm = jnp.sqrt(ss)
    scale = jnp.minimum(MAX_NORM, 1.0 / jnp.maximum(norm, 1e-7))
    pooled = jnp.sum(e * scale, axis=1) * (1.0 / CTX)
    x_ref[...] = lax.slice(pooled, (0, 0), (pooled.shape[0], D)).T


def _tc_pool(e3):
    BB = 128
    return pl.pallas_call(
        _pool_kernel,
        grid=(B // BB,),
        in_specs=[pl.BlockSpec((BB, CTX, DP), lambda i: (i, 0, 0))],
        out_specs=pl.BlockSpec((D, BB), lambda i: (0, i)),
        out_shape=jax.ShapeDtypeStruct((D, B), jnp.float32),
    )(e3)


def _matmul_kernel(w_ref, x_ref, b_ref, o_ref):
    acc = lax.dot_general(
        w_ref[...],
        x_ref[...],
        dimension_numbers=(((0,), (0,)), ((), ())),
        preferred_element_type=jnp.float32,
    )
    o_ref[...] = acc + b_ref[...].T


def _tc_matmul(wT, xT, bc):
    TV = 2048
    nvt = pl.cdiv(V, TV)
    return pl.pallas_call(
        _matmul_kernel,
        grid=(nvt,),
        in_specs=[
            pl.BlockSpec((D, TV), lambda j: (0, j)),
            pl.BlockSpec((D, B), lambda j: (0, 0)),
            pl.BlockSpec((1, TV), lambda j: (0, j)),
        ],
        out_specs=pl.BlockSpec((TV, B), lambda j: (j, 0)),
        out_shape=jax.ShapeDtypeStruct((V, B), jnp.float32),
    )(wT, xT, bc)


def kernel(inputs, emb_table, W, b):
    idx = inputs.reshape(R).astype(jnp.int32)
    table_p = _tc_transpose(emb_table.T)
    e = _sc_gather(table_p, idx)
    xT = _tc_pool(e.reshape(B, CTX, DP))
    outT = _tc_matmul(W.T, xT, b.reshape(1, V))
    return outT.T

# --- scband reference (transcript-rebuilt; emitter-appended) ---
"""Pipeline reference for scband-cbow-network-41867341201937 (READ-ONLY COPY).

The authoritative reference and input builder live on the scoring server;
editing this copy changes nothing except your own understanding.
"""

import jax, jax.numpy as jnp
import numpy as np

VOCAB = 100000
EMBED_DIMENSION = 300
EMBED_MAX_NORM = 1.0
BATCH = 1024
CTX = 20


def setup_inputs(seed: int = 0) -> dict:
    key = jax.random.key(seed)
    k1, k2, k3, k4 = jax.random.split(key, 4)
    inputs = jax.random.randint(k1, (BATCH, CTX), 0, VOCAB, dtype=jnp.int64 if jax.config.read('jax_enable_x64') else jnp.int32)
    emb_table = jax.random.normal(k2, (VOCAB, EMBED_DIMENSION), dtype=jnp.float32)
    W = jax.random.normal(k3, (VOCAB, EMBED_DIMENSION), dtype=jnp.float32) * 0.02
    b = jax.random.normal(k4, (VOCAB,), dtype=jnp.float32) * 0.02
    return {"inputs": inputs, "emb_table": emb_table, "W": W, "b": b}


def reference(inputs, emb_table, W, b):
    # nn.Embedding with max_norm: rows looked up are renormalized to norm <= max_norm.
    # torch does the renorm in-place under no_grad, so the scale is not differentiated.
    e = jnp.take(emb_table, inputs, axis=0)  # [B, CTX, D]
    norms = jnp.linalg.norm(e, axis=-1, keepdims=True)
    scale = jnp.minimum(1.0, EMBED_MAX_NORM / jnp.maximum(norms, 1e-7))
    e = e * jax.lax.stop_gradient(scale)
    x = e.mean(axis=1)  # [B, D]
    out = x @ W.T + b  # [B, VOCAB]
    return out

if __name__ == "__main__":
    import jax
    _d = setup_inputs()
    print(jax.jit(kernel)(*tuple(_d.values())))

</pallas_src>

<mosaic_0001>
#map = affine_map<(d0, d1) -> (0, 0)>
#map1 = affine_map<(d0, d1) -> (0)>
module attributes {stable_mosaic.version = 14 : i64} {
  func.func @gather_kernel(%arg0: i32, %arg1: i32, %arg2: memref<100000x384xf32, #tpu.memory_space<hbm>>, %arg3: memref<20480xi32, #tpu.memory_space<hbm>>, %arg4: memref<20480x384xf32, #tpu.memory_space<hbm>>, %arg5: memref<128xi32, #tpu.memory_space<vmem>>, %arg6: memref<128x384xf32, #tpu.memory_space<vmem>>, %arg7: memref<128x384xf32, #tpu.memory_space<vmem>>, %arg8: memref<!tpu.dma_semaphore, #tpu.memory_space<semaphore_mem>>, %arg9: memref<!tpu.dma_semaphore, #tpu.memory_space<semaphore_mem>>) attributes {dimension_semantics = [#tpu.dimension_semantics<core_parallel>, #tpu.dimension_semantics<subcore_parallel>], iteration_bounds = array<i64: 2, 16>, scalar_prefetch = 0 : i64, scratch_operands = 5 : i64, tpu.core_type = #tpu.core_type<sc_vector_subcore>, window_params = [{transform_indices = #map}, {transform_indices = #map1}, {transform_indices = #map}]} {
    %mul3A = arith.constant 2 : i32
    %mul3A_0 = arith.muli %arg1, %mul3A : i32
    %add3A = arith.addi %mul3A_0, %arg0 : i32
    %mul3A_1 = arith.constant 640 : i32
    %mul3A_2 = arith.muli %add3A, %mul3A_1 : i32
    %add3A_3 = arith.constant 0 : i32
    %add3A_4 = arith.addi %mul3A_2, %add3A_3 : i32
    "tpu.region"() ({
      %run_scoped3A = tpu.sem_alloc : memref<!tpu.dma_semaphore, #tpu.memory_space<semaphore_mem>>
      %dma_start3A_41 = tpu.memref_slice %arg3[%add3A_4] : memref<20480xi32, #tpu.memory_space<hbm>> -> memref<128xi32, #tpu.memory_space<hbm>>
      %dma_start3A_42 = tpu.memref_slice %arg3[%add3A_4] : memref<20480xi32, #tpu.memory_space<hbm>> -> memref<128xi32, #tpu.memory_space<hbm>>
      tpu.enqueue_dma source(%dma_start3A_42 : memref<128xi32, #tpu.memory_space<hbm>>) target(%arg5 : memref<128xi32, #tpu.memory_space<vmem>>) target_semaphore(%run_scoped3A : memref<!tpu.dma_semaphore, #tpu.memory_space<semaphore_mem>>)
      %dma_wait3A_43 = tpu.memref_slice %arg3[%add3A_4] : memref<20480xi32, #tpu.memory_space<hbm>> -> memref<128xi32, #tpu.memory_space<hbm>>
      %dma_wait3A_44 = tpu.memref_slice %arg3[%add3A_4] : memref<20480xi32, #tpu.memory_space<hbm>> -> memref<128xi32, #tpu.memory_space<hbm>>
      tpu.wait_dma2 semaphore(%run_scoped3A : memref<!tpu.dma_semaphore, #tpu.memory_space<semaphore_mem>>) src(%dma_wait3A_44 : memref<128xi32, #tpu.memory_space<hbm>>) dst(%arg5 : memref<128xi32, #tpu.memory_space<vmem>>)
      tpu.yield
    }) : () -> ()
    %dma_start3A = arith.constant 0 : i32
    %dma_start3A_5 = arith.constant 0 : i32
    %dma_start3A_6 = tpu.memref_slice %arg2[%dma_start3A, %dma_start3A_5] : memref<100000x384xf32, #tpu.memory_space<hbm>> -> memref<100000x384xf32, #tpu.memory_space<hbm>>
    tpu.enqueue_indirect_dma source(%dma_start3A_6 : memref<100000x384xf32, #tpu.memory_space<hbm>>) target(%arg6 : memref<128x384xf32, #tpu.memory_space<vmem>>) offsets(%arg5 : memref<128xi32, #tpu.memory_space<vmem>>) semaphore(%arg8 : memref<!tpu.dma_semaphore, #tpu.memory_space<semaphore_mem>>)
    %dma_wait3A = arith.constant 0 : i32
    %dma_wait3A_7 = arith.constant 0 : i32
    %dma_wait3A_8 = tpu.memref_slice %arg2[%dma_wait3A, %dma_wait3A_7] : memref<100000x384xf32, #tpu.memory_space<hbm>> -> memref<100000x384xf32, #tpu.memory_space<hbm>>
    tpu.wait_indirect_dma semaphore(%arg8 : memref<!tpu.dma_semaphore, #tpu.memory_space<semaphore_mem>>) src(%dma_wait3A_8 : memref<100000x384xf32, #tpu.memory_space<hbm>>) dst(%arg6 : memref<128x384xf32, #tpu.memory_space<vmem>>)
    "tpu.region"() ({
      %run_scoped3A = tpu.sem_alloc : memref<!tpu.dma_semaphore, #tpu.memory_space<semaphore_mem>>
      %dma_start3A_41 = arith.constant 0 : i32
      %dma_start3A_42 = tpu.memref_slice %arg4[%add3A_4, %dma_start3A_41] : memref<20480x384xf32, #tpu.memory_space<hbm>> -> memref<128x384xf32, #tpu.memory_space<hbm>>
      %dma_start3A_43 = arith.constant 0 : i32
      %dma_start3A_44 = tpu.memref_slice %arg4[%add3A_4, %dma_start3A_43] : memref<20480x384xf32, #tpu.memory_space<hbm>> -> memref<128x384xf32, #tpu.memory_space<hbm>>
      tpu.enqueue_dma source(%arg6 : memref<128x384xf32, #tpu.memory_space<vmem>>) target(%dma_start3A_44 : memref<128x384xf32, #tpu.memory_space<hbm>>) target_semaphore(%run_scoped3A : memref<!tpu.dma_semaphore, #tpu.memory_space<semaphore_mem>>)
      %dma_wait3A_45 = arith.constant 0 : i32
      %dma_wait3A_46 = tpu.memref_slice %arg4[%add3A_4, %dma_wait3A_45] : memref<20480x384xf32, #tpu.memory_space<hbm>> -> memref<128x384xf32, #tpu.memory_space<hbm>>
      %dma_wait3A_47 = arith.constant 0 : i32
      %dma_wait3A_48 = tpu.memref_slice %arg4[%add3A_4, %dma_wait3A_47] : memref<20480x384xf32, #tpu.memory_space<hbm>> -> memref<128x384xf32, #tpu.memory_space<hbm>>
      tpu.wait_dma2 semaphore(%run_scoped3A : memref<!tpu.dma_semaphore, #tpu.memory_space<semaphore_mem>>) src(%arg6 : memref<128x384xf32, #tpu.memory_space<vmem>>) dst(%dma_wait3A_48 : memref<128x384xf32, #tpu.memory_space<hbm>>)
      tpu.yield
    }) : () -> ()
    %add3A_9 = arith.constant 128 : i32
    %add3A_10 = arith.addi %mul3A_2, %add3A_9 : i32
    "tpu.region"() ({
      %run_scoped3A = tpu.sem_alloc : memref<!tpu.dma_semaphore, #tpu.memory_space<semaphore_mem>>
      %dma_start3A_41 = tpu.memref_slice %arg3[%add3A_10] : memref<20480xi32, #tpu.memory_space<hbm>> -> memref<128xi32, #tpu.memory_space<hbm>>
      %dma_start3A_42 = tpu.memref_slice %arg3[%add3A_10] : memref<20480xi32, #tpu.memory_space<hbm>> -> memref<128xi32, #tpu.memory_space<hbm>>
      tpu.enqueue_dma source(%dma_start3A_42 : memref<128xi32, #tpu.memory_space<hbm>>) target(%arg5 : memref<128xi32, #tpu.memory_space<vmem>>) target_semaphore(%run_scoped3A : memref<!tpu.dma_semaphore, #tpu.memory_space<semaphore_mem>>)
      %dma_wait3A_43 = tpu.memref_slice %arg3[%add3A_10] : memref<20480xi32, #tpu.memory_space<hbm>> -> memref<128xi32, #tpu.memory_space<hbm>>
      %dma_wait3A_44 = tpu.memref_slice %arg3[%add3A_10] : memref<20480xi32, #tpu.memory_space<hbm>> -> memref<128xi32, #tpu.memory_space<hbm>>
      tpu.wait_dma2 semaphore(%run_scoped3A : memref<!tpu.dma_semaphore, #tpu.memory_space<semaphore_mem>>) src(%dma_wait3A_44 : memref<128xi32, #tpu.memory_space<hbm>>) dst(%arg5 : memref<128xi32, #tpu.memory_space<vmem>>)
      tpu.yield
    }) : () -> ()
    %dma_start3A_11 = arith.constant 0 : i32
    %dma_start3A_12 = arith.constant 0 : i32
    %dma_start3A_13 = tpu.memref_slice %arg2[%dma_start3A_11, %dma_start3A_12] : memref<100000x384xf32, #tpu.memory_space<hbm>> -> memref<100000x384xf32, #tpu.memory_space<hbm>>
    tpu.enqueue_indirect_dma source(%dma_start3A_13 : memref<100000x384xf32, #tpu.memory_space<hbm>>) target(%arg7 : memref<128x384xf32, #tpu.memory_space<vmem>>) offsets(%arg5 : memref<128xi32, #tpu.memory_space<vmem>>) semaphore(%arg9 : memref<!tpu.dma_semaphore, #tpu.memory_space<semaphore_mem>>)
    %dma_wait3A_14 = arith.constant 0 : i32
    %dma_wait3A_15 = arith.constant 0 : i32
    %dma_wait3A_16 = tpu.memref_slice %arg2[%dma_wait3A_14, %dma_wait3A_15] : memref<100000x384xf32, #tpu.memory_space<hbm>> -> memref<100000x384xf32, #tpu.memory_space<hbm>>
    tpu.wait_indirect_dma semaphore(%arg9 : memref<!tpu.dma_semaphore, #tpu.memory_space<semaphore_mem>>) src(%dma_wait3A_16 : memref<100000x384xf32, #tpu.memory_space<hbm>>) dst(%arg7 : memref<128x384xf32, #tpu.memory_space<vmem>>)
    "tpu.region"() ({
      %run_scoped3A = tpu.sem_alloc : memref<!tpu.dma_semaphore, #tpu.memory_space<semaphore_mem>>
      %dma_start3A_41 = arith.constant 0 : i32
      %dma_start3A_42 = tpu.memref_slice %arg4[%add3A_10, %dma_start3A_41] : memref<20480x384xf32, #tpu.memory_space<hbm>> -> memref<128x384xf32, #tpu.memory_space<hbm>>
      %dma_start3A_43 = arith.constant 0 : i32
      %dma_start3A_44 = tpu.memref_slice %arg4[%add3A_10, %dma_start3A_43] : memref<20480x384xf32, #tpu.memory_space<hbm>> -> memref<128x384xf32, #tpu.memory_space<hbm>>
      tpu.enqueue_dma source(%arg7 : memref<128x384xf32, #tpu.memory_space<vmem>>) target(%dma_start3A_44 : memref<128x384xf32, #tpu.memory_space<hbm>>) target_semaphore(%run_scoped3A : memref<!tpu.dma_semaphore, #tpu.memory_space<semaphore_mem>>)
      %dma_wait3A_45 = arith.constant 0 : i32
      %dma_wait3A_46 = tpu.memref_slice %arg4[%add3A_10, %dma_wait3A_45] : memref<20480x384xf32, #tpu.memory_space<hbm>> -> memref<128x384xf32, #tpu.memory_space<hbm>>
      %dma_wait3A_47 = arith.constant 0 : i32
      %dma_wait3A_48 = tpu.memref_slice %arg4[%add3A_10, %dma_wait3A_47] : memref<20480x384xf32, #tpu.memory_space<hbm>> -> memref<128x384xf32, #tpu.memory_space<hbm>>
      tpu.wait_dma2 semaphore(%run_scoped3A : memref<!tpu.dma_semaphore, #tpu.memory_space<semaphore_mem>>) src(%arg7 : memref<128x384xf32, #tpu.memory_space<vmem>>) dst(%dma_wait3A_48 : memref<128x384xf32, #tpu.memory_space<hbm>>)
      tpu.yield
    }) : () -> ()
    %add3A_17 = arith.constant 256 : i32
    %add3A_18 = arith.addi %mul3A_2, %add3A_17 : i32
    "tpu.region"() ({
      %run_scoped3A = tpu.sem_alloc : memref<!tpu.dma_semaphore, #tpu.memory_space<semaphore_mem>>
      %dma_start3A_41 = tpu.memref_slice %arg3[%add3A_18] : memref<20480xi32, #tpu.memory_space<hbm>> -> memref<128xi32, #tpu.memory_space<hbm>>
      %dma_start3A_42 = tpu.memref_slice %arg3[%add3A_18] : memref<20480xi32, #tpu.memory_space<hbm>> -> memref<128xi32, #tpu.memory_space<hbm>>
      tpu.enqueue_dma source(%dma_start3A_42 : memref<128xi32, #tpu.memory_space<hbm>>) target(%arg5 : memref<128xi32, #tpu.memory_space<vmem>>) target_semaphore(%run_scoped3A : memref<!tpu.dma_semaphore, #tpu.memory_space<semaphore_mem>>)
      %dma_wait3A_43 = tpu.memref_slice %arg3[%add3A_18] : memref<20480xi32, #tpu.memory_space<hbm>> -> memref<128xi32, #tpu.memory_space<hbm>>
      %dma_wait3A_44 = tpu.memref_slice %arg3[%add3A_18] : memref<20480xi32, #tpu.memory_space<hbm>> -> memref<128xi32, #tpu.memory_space<hbm>>
      tpu.wait_dma2 semaphore(%run_scoped3A : memref<!tpu.dma_semaphore, #tpu.memory_space<semaphore_mem>>) src(%dma_wait3A_44 : memref<128xi32, #tpu.memory_space<hbm>>) dst(%arg5 : memref<128xi32, #tpu.memory_space<vmem>>)
      tpu.yield
    }) : () -> ()
    %dma_start3A_19 = arith.constant 0 : i32
    %dma_start3A_20 = arith.constant 0 : i32
    %dma_start3A_21 = tpu.memref_slice %arg2[%dma_start3A_19, %dma_start3A_20] : memref<100000x384xf32, #tpu.memory_space<hbm>> -> memref<100000x384xf32, #tpu.memory_space<hbm>>
    tpu.enqueue_indirect_dma source(%dma_start3A_21 : memref<100000x384xf32, #tpu.memory_space<hbm>>) target(%arg6 : memref<128x384xf32, #tpu.memory_space<vmem>>) offsets(%arg5 : memref<128xi32, #tpu.memory_space<vmem>>) semaphore(%arg8 : memref<!tpu.dma_semaphore, #tpu.memory_space<semaphore_mem>>)
    %dma_wait3A_22 = arith.constant 0 : i32
    %dma_wait3A_23 = arith.constant 0 : i32
    %dma_wait3A_24 = tpu.memref_slice %arg2[%dma_wait3A_22, %dma_wait3A_23] : memref<100000x384xf32, #tpu.memory_space<hbm>> -> memref<100000x384xf32, #tpu.memory_space<hbm>>
    tpu.wait_indirect_dma semaphore(%arg8 : memref<!tpu.dma_semaphore, #tpu.memory_space<semaphore_mem>>) src(%dma_wait3A_24 : memref<100000x384xf32, #tpu.memory_space<hbm>>) dst(%arg6 : memref<128x384xf32, #tpu.memory_space<vmem>>)
    "tpu.region"() ({
      %run_scoped3A = tpu.sem_alloc : memref<!tpu.dma_semaphore, #tpu.memory_space<semaphore_mem>>
      %dma_start3A_41 = arith.constant 0 : i32
      %dma_start3A_42 = tpu.memref_slice %arg4[%add3A_18, %dma_start3A_41] : memref<20480x384xf32, #tpu.memory_space<hbm>> -> memref<128x384xf32, #tpu.memory_space<hbm>>
      %dma_start3A_43 = arith.constant 0 : i32
      %dma_start3A_44 = tpu.memref_slice %arg4[%add3A_18, %dma_start3A_43] : memref<20480x384xf32, #tpu.memory_space<hbm>> -> memref<128x384xf32, #tpu.memory_space<hbm>>
      tpu.enqueue_dma source(%arg6 : memref<128x384xf32, #tpu.memory_space<vmem>>) target(%dma_start3A_44 : memref<128x384xf32, #tpu.memory_space<hbm>>) target_semaphore(%run_scoped3A : memref<!tpu.dma_semaphore, #tpu.memory_space<semaphore_mem>>)
      %dma_wait3A_45 = arith.constant 0 : i32
      %dma_wait3A_46 = tpu.memref_slice %arg4[%add3A_18, %dma_wait3A_45] : memref<20480x384xf32, #tpu.memory_space<hbm>> -> memref<128x384xf32, #tpu.memory_space<hbm>>
      %dma_wait3A_47 = arith.constant 0 : i32
      %dma_wait3A_48 = tpu.memref_slice %arg4[%add3A_18, %dma_wait3A_47] : memref<20480x384xf32, #tpu.memory_space<hbm>> -> memref<128x384xf32, #tpu.memory_space<hbm>>
      tpu.wait_dma2 semaphore(%run_scoped3A : memref<!tpu.dma_semaphore, #tpu.memory_space<semaphore_mem>>) src(%arg6 : memref<128x384xf32, #tpu.memory_space<vmem>>) dst(%dma_wait3A_48 : memref<128x384xf32, #tpu.memory_space<hbm>>)
      tpu.yield
    }) : () -> ()
    %add3A_25 = arith.constant 384 : i32
    %add3A_26 = arith.addi %mul3A_2, %add3A_25 : i32
    "tpu.region"() ({
      %run_scoped3A = tpu.sem_alloc : memref<!tpu.dma_semaphore, #tpu.memory_space<semaphore_mem>>
      %dma_start3A_41 = tpu.memref_slice %arg3[%add3A_26] : memref<20480xi32, #tpu.memory_space<hbm>> -> memref<128xi32, #tpu.memory_space<hbm>>
      %dma_start3A_42 = tpu.memref_slice %arg3[%add3A_26] : memref<20480xi32, #tpu.memory_space<hbm>> -> memref<128xi32, #tpu.memory_space<hbm>>
      tpu.enqueue_dma source(%dma_start3A_42 : memref<128xi32, #tpu.memory_space<hbm>>) target(%arg5 : memref<128xi32, #tpu.memory_space<vmem>>) target_semaphore(%run_scoped3A : memref<!tpu.dma_semaphore, #tpu.memory_space<semaphore_mem>>)
      %dma_wait3A_43 = tpu.memref_slice %arg3[%add3A_26] : memref<20480xi32, #tpu.memory_space<hbm>> -> memref<128xi32, #tpu.memory_space<hbm>>
      %dma_wait3A_44 = tpu.memref_slice %arg3[%add3A_26] : memref<20480xi32, #tpu.memory_space<hbm>> -> memref<128xi32, #tpu.memory_space<hbm>>
      tpu.wait_dma2 semaphore(%run_scoped3A : memref<!tpu.dma_semaphore, #tpu.memory_space<semaphore_mem>>) src(%dma_wait3A_44 : memref<128xi32, #tpu.memory_space<hbm>>) dst(%arg5 : memref<128xi32, #tpu.memory_space<vmem>>)
      tpu.yield
    }) : () -> ()
    %dma_start3A_27 = arith.constant 0 : i32
    %dma_start3A_28 = arith.constant 0 : i32
    %dma_start3A_29 = tpu.memref_slice %arg2[%dma_start3A_27, %dma_start3A_28] : memref<100000x384xf32, #tpu.memory_space<hbm>> -> memref<100000x384xf32, #tpu.memory_space<hbm>>
    tpu.enqueue_indirect_dma source(%dma_start3A_29 : memref<100000x384xf32, #tpu.memory_space<hbm>>) target(%arg7 : memref<128x384xf32, #tpu.memory_space<vmem>>) offsets(%arg5 : memref<128xi32, #tpu.memory_space<vmem>>) semaphore(%arg9 : memref<!tpu.dma_semaphore, #tpu.memory_space<semaphore_mem>>)
    %dma_wait3A_30 = arith.constant 0 : i32
    %dma_wait3A_31 = arith.constant 0 : i32
    %dma_wait3A_32 = tpu.memref_slice %arg2[%dma_wait3A_30, %dma_wait3A_31] : memref<100000x384xf32, #tpu.memory_space<hbm>> -> memref<100000x384xf32, #tpu.memory_space<hbm>>
    tpu.wait_indirect_dma semaphore(%arg9 : memref<!tpu.dma_semaphore, #tpu.memory_space<semaphore_mem>>) src(%dma_wait3A_32 : memref<100000x384xf32, #tpu.memory_space<hbm>>) dst(%arg7 : memref<128x384xf32, #tpu.memory_space<vmem>>)
    "tpu.region"() ({
      %run_scoped3A = tpu.sem_alloc : memref<!tpu.dma_semaphore, #tpu.memory_space<semaphore_mem>>
      %dma_start3A_41 = arith.constant 0 : i32
      %dma_start3A_42 = tpu.memref_slice %arg4[%add3A_26, %dma_start3A_41] : memref<20480x384xf32, #tpu.memory_space<hbm>> -> memref<128x384xf32, #tpu.memory_space<hbm>>
      %dma_start3A_43 = arith.constant 0 : i32
      %dma_start3A_44 = tpu.memref_slice %arg4[%add3A_26, %dma_start3A_43] : memref<20480x384xf32, #tpu.memory_space<hbm>> -> memref<128x384xf32, #tpu.memory_space<hbm>>
      tpu.enqueue_dma source(%arg7 : memref<128x384xf32, #tpu.memory_space<vmem>>) target(%dma_start3A_44 : memref<128x384xf32, #tpu.memory_space<hbm>>) target_semaphore(%run_scoped3A : memref<!tpu.dma_semaphore, #tpu.memory_space<semaphore_mem>>)
      %dma_wait3A_45 = arith.constant 0 : i32
      %dma_wait3A_46 = tpu.memref_slice %arg4[%add3A_26, %dma_wait3A_45] : memref<20480x384xf32, #tpu.memory_space<hbm>> -> memref<128x384xf32, #tpu.memory_space<hbm>>
      %dma_wait3A_47 = arith.constant 0 : i32
      %dma_wait3A_48 = tpu.memref_slice %arg4[%add3A_26, %dma_wait3A_47] : memref<20480x384xf32, #tpu.memory_space<hbm>> -> memref<128x384xf32, #tpu.memory_space<hbm>>
      tpu.wait_dma2 semaphore(%run_scoped3A : memref<!tpu.dma_semaphore, #tpu.memory_space<semaphore_mem>>) src(%arg7 : memref<128x384xf32, #tpu.memory_space<vmem>>) dst(%dma_wait3A_48 : memref<128x384xf32, #tpu.memory_space<hbm>>)
      tpu.yield
    }) : () -> ()
    %add3A_33 = arith.constant 512 : i32
    %add3A_34 = arith.addi %mul3A_2, %add3A_33 : i32
    "tpu.region"() ({
      %run_scoped3A = tpu.sem_alloc : memref<!tpu.dma_semaphore, #tpu.memory_space<semaphore_mem>>
      %dma_start3A_41 = tpu.memref_slice %arg3[%add3A_34] : memref<20480xi32, #tpu.memory_space<hbm>> -> memref<128xi32, #tpu.memory_space<hbm>>
      %dma_start3A_42 = tpu.memref_slice %arg3[%add3A_34] : memref<20480xi32, #tpu.memory_space<hbm>> -> memref<128xi32, #tpu.memory_space<hbm>>
      tpu.enqueue_dma source(%dma_start3A_42 : memref<128xi32, #tpu.memory_space<hbm>>) target(%arg5 : memref<128xi32, #tpu.memory_space<vmem>>) target_semaphore(%run_scoped3A : memref<!tpu.dma_semaphore, #tpu.memory_space<semaphore_mem>>)
      %dma_wait3A_43 = tpu.memref_slice %arg3[%add3A_34] : memref<20480xi32, #tpu.memory_space<hbm>> -> memref<128xi32, #tpu.memory_space<hbm>>
      %dma_wait3A_44 = tpu.memref_slice %arg3[%add3A_34] : memref<20480xi32, #tpu.memory_space<hbm>> -> memref<128xi32, #tpu.memory_space<hbm>>
      tpu.wait_dma2 semaphore(%run_scoped3A : memref<!tpu.dma_semaphore, #tpu.memory_space<semaphore_mem>>) src(%dma_wait3A_44 : memref<128xi32, #tpu.memory_space<hbm>>) dst(%arg5 : memref<128xi32, #tpu.memory_space<vmem>>)
      tpu.yield
    }) : () -> ()
    %dma_start3A_35 = arith.constant 0 : i32
    %dma_start3A_36 = arith.constant 0 : i32
    %dma_start3A_37 = tpu.memref_slice %arg2[%dma_start3A_35, %dma_start3A_36] : memref<100000x384xf32, #tpu.memory_space<hbm>> -> memref<100000x384xf32, #tpu.memory_space<hbm>>
    tpu.enqueue_indirect_dma source(%dma_start3A_37 : memref<100000x384xf32, #tpu.memory_space<hbm>>) target(%arg6 : memref<128x384xf32, #tpu.memory_space<vmem>>) offsets(%arg5 : memref<128xi32, #tpu.memory_space<vmem>>) semaphore(%arg8 : memref<!tpu.dma_semaphore, #tpu.memory_space<semaphore_mem>>)
    %dma_wait3A_38 = arith.constant 0 : i32
    %dma_wait3A_39 = arith.constant 0 : i32
    %dma_wait3A_40 = tpu.memref_slice %arg2[%dma_wait3A_38, %dma_wait3A_39] : memref<100000x384xf32, #tpu.memory_space<hbm>> -> memref<100000x384xf32, #tpu.memory_space<hbm>>
    tpu.wait_indirect_dma semaphore(%arg8 : memref<!tpu.dma_semaphore, #tpu.memory_space<semaphore_mem>>) src(%dma_wait3A_40 : memref<100000x384xf32, #tpu.memory_space<hbm>>) dst(%arg6 : memref<128x384xf32, #tpu.memory_space<vmem>>)
    "tpu.region"() ({
      %run_scoped3A = tpu.sem_alloc : memref<!tpu.dma_semaphore, #tpu.memory_space<semaphore_mem>>
      %dma_start3A_41 = arith.constant 0 : i32
      %dma_start3A_42 = tpu.memref_slice %arg4[%add3A_34, %dma_start3A_41] : memref<20480x384xf32, #tpu.memory_space<hbm>> -> memref<128x384xf32, #tpu.memory_space<hbm>>
      %dma_start3A_43 = arith.constant 0 : i32
      %dma_start3A_44 = tpu.memref_slice %arg4[%add3A_34, %dma_start3A_43] : memref<20480x384xf32, #tpu.memory_space<hbm>> -> memref<128x384xf32, #tpu.memory_space<hbm>>
      tpu.enqueue_dma source(%arg6 : memref<128x384xf32, #tpu.memory_space<vmem>>) target(%dma_start3A_44 : memref<128x384xf32, #tpu.memory_space<hbm>>) target_semaphore(%run_scoped3A : memref<!tpu.dma_semaphore, #tpu.memory_space<semaphore_mem>>)
      %dma_wait3A_45 = arith.constant 0 : i32
      %dma_wait3A_46 = tpu.memref_slice %arg4[%add3A_34, %dma_wait3A_45] : memref<20480x384xf32, #tpu.memory_space<hbm>> -> memref<128x384xf32, #tpu.memory_space<hbm>>
      %dma_wait3A_47 = arith.constant 0 : i32
      %dma_wait3A_48 = tpu.memref_slice %arg4[%add3A_34, %dma_wait3A_47] : memref<20480x384xf32, #tpu.memory_space<hbm>> -> memref<128x384xf32, #tpu.memory_space<hbm>>
      tpu.wait_dma2 semaphore(%run_scoped3A : memref<!tpu.dma_semaphore, #tpu.memory_space<semaphore_mem>>) src(%arg6 : memref<128x384xf32, #tpu.memory_space<vmem>>) dst(%dma_wait3A_48 : memref<128x384xf32, #tpu.memory_space<hbm>>)
      tpu.yield
    }) : () -> ()
    return
  }
}

module attributes {stable_mosaic.version = 14 : i64} {
  func.func @_transpose_kernel(%arg0: i32, %arg1: memref<300x2048xf32, #tpu.memory_space<vmem>>, %arg2: memref<2048x384xf32, #tpu.memory_space<vmem>>) attributes {dimension_semantics = [#tpu.dimension_semantics<arbitrary>], iteration_bounds = array<i64: 49>, scalar_prefetch = 0 : i64, scratch_operands = 0 : i64, tpu.core_type = #tpu.core_type<tc>, window_params = [{transform_indices = @transform_0, window_bounds = array<i64: 300, 2048>}, {transform_indices = @transform_1, window_bounds = array<i64: 2048, 384>}]} {
    %get3A = arith.constant 0 : index
    %get3A_0 = arith.constant 0 : index
    %get3A_1 = vector.load %arg1[%get3A, %get3A_0] : memref<300x2048xf32, #tpu.memory_space<vmem>>, vector<300x2048xf32>
    %transpose3A = tpu.transpose %get3A_1, [1, 0] : vector<300x2048xf32> -> vector<2048x300xf32>
    %swap3A = arith.constant 0 : index
    %swap3A_2 = arith.constant 0 : index
    %swap3A_3 = vector.load %arg2[%swap3A, %swap3A_2] : memref<2048x384xf32, #tpu.memory_space<vmem>>, vector<2048x300xf32>
    tpu.vector_store %arg2[%swap3A, %swap3A_2], %transpose3A {strides = array<i32>} : memref<2048x384xf32, #tpu.memory_space<vmem>>, vector<2048x300xf32>,
    %broadcast_in_dim3A = arith.constant 0.000000e+00 : f32
    %broadcast_in_dim3A_4 = vector.broadcast %broadcast_in_dim3A : f32 to vector<2048x84xf32>
    %swap3A_5 = arith.constant 0 : index
    %swap3A_6 = arith.constant 300 : index
    %swap3A_7 = vector.load %arg2[%swap3A_5, %swap3A_6] : memref<2048x384xf32, #tpu.memory_space<vmem>>, vector<2048x84xf32>
    tpu.vector_store %arg2[%swap3A_5, %swap3A_6], %broadcast_in_dim3A_4 {strides = array<i32>} : memref<2048x384xf32, #tpu.memory_space<vmem>>, vector<2048x84xf32>,
    return
  }
  func.func @transform_0(%arg0: i32) -> (i32, i32) {
    %c0_i32 = arith.constant 0 : i32
    %c0_i32_0 = arith.constant 0 : i32
    return %c0_i32, %arg0 : i32, i32
  }
  func.func @transform_1(%arg0: i32) -> (i32, i32) {
    %c0_i32 = arith.constant 0 : i32
    %c0_i32_0 = arith.constant 0 : i32
    return %arg0, %c0_i32 : i32, i32
  }
}

module attributes {stable_mosaic.version = 14 : i64} {
  func.func @_pool_kernel(%arg0: i32, %arg1: memref<128x20x384xf32, #tpu.memory_space<vmem>>, %arg2: memref<300x128xf32, #tpu.memory_space<vmem>>) attributes {dimension_semantics = [#tpu.dimension_semantics<arbitrary>], iteration_bounds = array<i64: 8>, scalar_prefetch = 0 : i64, scratch_operands = 0 : i64, tpu.core_type = #tpu.core_type<tc>, window_params = [{transform_indices = @transform_0, window_bounds = array<i64: 128, 20, 384>}, {transform_indices = @transform_1, window_bounds = array<i64: 300, 128>}]} {
    %get3A = arith.constant 0 : index
    %get3A_0 = arith.constant 0 : index
    %get3A_1 = arith.constant 0 : index
    %get3A_2 = vector.load %arg1[%get3A, %get3A_0, %get3A_1] : memref<128x20x384xf32, #tpu.memory_space<vmem>>, vector<128x20x384xf32>
    %mul3A = arith.mulf %get3A_2, %get3A_2 : vector<128x20x384xf32>
    %reduce_sum3A = arith.constant dense<0.000000e+00> : vector<128x20xf32>
    %reduce_sum3A_3 = vector.multi_reduction <add>, %mul3A, %reduce_sum3A [2] : vector<128x20x384xf32> to vector<128x20xf32>
    %broadcast_in_dim3A = vector.shape_cast %reduce_sum3A_3 : vector<128x20xf32> to vector<128x20x1xf32>
    %sqrt3A = math.sqrt %broadcast_in_dim3A : vector<128x20x1xf32>
    %max3A = arith.constant 1.000000e-07 : f32
    %max3A_4 = vector.broadcast %max3A : f32 to vector<128x20x1xf32>
    %max3A_5 = arith.maximumf %sqrt3A, %max3A_4 : vector<128x20x1xf32>
    %div3A = arith.constant 1.000000e+00 : f32
    %div3A_6 = vector.broadcast %div3A : f32 to vector<128x20x1xf32>
    %div3A_7 = arith.divf %div3A_6, %max3A_5 : vector<128x20x1xf32>
    %min3A = arith.constant 1.000000e+00 : f32
    %min3A_8 = vector.broadcast %min3A : f32 to vector<128x20x1xf32>
    %min3A_9 = arith.minimumf %min3A_8, %div3A_7 : vector<128x20x1xf32>
    %mul3A_10 = vector.broadcast %min3A_9 : vector<128x20x1xf32> to vector<128x20x384xf32>
    %mul3A_11 = arith.mulf %get3A_2, %mul3A_10 : vector<128x20x384xf32>
    %reduce_sum3A_12 = arith.constant dense<0.000000e+00> : vector<128x384xf32>
    %reduce_sum3A_13 = vector.multi_reduction <add>, %mul3A_11, %reduce_sum3A_12 [1] : vector<128x20x384xf32> to vector<128x384xf32>
    %mul3A_14 = arith.constant 5.000000e-02 : f32
    %mul3A_15 = vector.broadcast %mul3A_14 : f32 to vector<128x384xf32>
    %mul3A_16 = arith.mulf %reduce_sum3A_13, %mul3A_15 : vector<128x384xf32>
    %slice3A = vector.extract_strided_slice %mul3A_16 {offsets = [0, 0], sizes = [128, 300], strides = [1, 1]} : vector<128x384xf32> to vector<128x300xf32>
    %transpose3A = tpu.transpose %slice3A, [1, 0] : vector<128x300xf32> -> vector<300x128xf32>
    %swap3A = arith.constant 0 : index
    %swap3A_17 = arith.constant 0 : index
    %swap3A_18 = vector.load %arg2[%swap3A, %swap3A_17] : memref<300x128xf32, #tpu.memory_space<vmem>>, vector<300x128xf32>
    tpu.vector_store %arg2[%swap3A, %swap3A_17], %transpose3A {strides = array<i32>} : memref<300x128xf32, #tpu.memory_space<vmem>>, vector<300x128xf32>,
    return
  }
  func.func @transform_0(%arg0: i32) -> (i32, i32, i32) {
    %c0_i32 = arith.constant 0 : i32
    %c0_i32_0 = arith.constant 0 : i32
    %c0_i32_1 = arith.constant 0 : i32
    return %arg0, %c0_i32, %c0_i32_0 : i32, i32, i32
  }
  func.func @transform_1(%arg0: i32) -> (i32, i32) {
    %c0_i32 = arith.constant 0 : i32
    %c0_i32_0 = arith.constant 0 : i32
    return %c0_i32, %arg0 : i32, i32
  }
}

module attributes {stable_mosaic.version = 14 : i64} {
  func.func @_matmul_kernel(%arg0: i32, %arg1: memref<300x2048xf32, #tpu.memory_space<vmem>>, %arg2: memref<300x1024xf32, #tpu.memory_space<vmem>>, %arg3: memref<1x2048xf32, #tpu.memory_space<vmem>>, %arg4: memref<2048x1024xf32, #tpu.memory_space<vmem>>) attributes {dimension_semantics = [#tpu.dimension_semantics<arbitrary>], iteration_bounds = array<i64: 49>, scalar_prefetch = 0 : i64, scratch_operands = 0 : i64, tpu.core_type = #tpu.core_type<tc>, window_params = [{transform_indices = @transform_0, window_bounds = array<i64: 300, 2048>}, {pipeline_mode = #tpu.pipeline_mode<synchronous>, transform_indices = @transform_1, window_bounds = array<i64: 300, 1024>}, {transform_indices = @transform_2, window_bounds = array<i64: 1, 2048>}, {transform_indices = @transform_3, window_bounds = array<i64: 2048, 1024>}]} {
    %get3A = arith.constant 0 : index
    %get3A_0 = arith.constant 0 : index
    %get3A_1 = vector.load %arg1[%get3A, %get3A_0] : memref<300x2048xf32, #tpu.memory_space<vmem>>, vector<300x2048xf32>
    %get3A_2 = arith.constant 0 : index
    %get3A_3 = arith.constant 0 : index
    %get3A_4 = vector.load %arg2[%get3A_2, %get3A_3] : memref<300x1024xf32, #tpu.memory_space<vmem>>, vector<300x1024xf32>
    %dot_general3A = arith.constant dense<0.000000e+00> : vector<2048x1024xf32>
    %dot_general3A_5 = tpu.matmul %get3A_1, %get3A_4, %dot_general3A {dimension_numbers = #tpu.dot_dimension_numbers<[0], [0], [1], [1], [0, 1, 1, 1], [], []>, transpose_lhs_hint = false} : vector<300x2048xf32>, vector<300x1024xf32>, vector<2048x1024xf32> -> vector<2048x1024xf32>
    %get3A_6 = arith.constant 0 : index
    %get3A_7 = arith.constant 0 : index
    %get3A_8 = vector.load %arg3[%get3A_6, %get3A_7] : memref<1x2048xf32, #tpu.memory_space<vmem>>, vector<1x2048xf32>
    %transpose3A = tpu.transpose %get3A_8, [1, 0] : vector<1x2048xf32> -> vector<2048x1xf32>
    %add3A = vector.broadcast %transpose3A : vector<2048x1xf32> to vector<2048x1024xf32>
    %add3A_9 = arith.addf %dot_general3A_5, %add3A : vector<2048x1024xf32>
    %swap3A = arith.constant 0 : index
    %swap3A_10 = arith.constant 0 : index
    %swap3A_11 = vector.load %arg4[%swap3A, %swap3A_10] : memref<2048x1024xf32, #tpu.memory_space<vmem>>, vector<2048x1024xf32>
    tpu.vector_store %arg4[%swap3A, %swap3A_10], %add3A_9 {strides = array<i32>} : memref<2048x1024xf32, #tpu.memory_space<vmem>>, vector<2048x1024xf32>,
    return
  }
  func.func @transform_0(%arg0: i32) -> (i32, i32) {
    %c0_i32 = arith.constant 0 : i32
    %c0_i32_0 = arith.constant 0 : i32
    return %c0_i32, %arg0 : i32, i32
  }
  func.func @transform_1(%arg0: i32) -> (i32, i32) {
    %c0_i32 = arith.constant 0 : i32
    %c0_i32_0 = arith.constant 0 : i32
    %c0_i32_1 = arith.constant 0 : i32
    return %c0_i32, %c0_i32_0 : i32, i32
  }
  func.func @transform_2(%arg0: i32) -> (i32, i32) {
    %c0_i32 = arith.constant 0 : i32
    %c0_i32_0 = arith.constant 0 : i32
    return %c0_i32, %arg0 : i32, i32
  }
  func.func @transform_3(%arg0: i32) -> (i32, i32) {
    %c0_i32 = arith.constant 0 : i32
    %c0_i32_0 = arith.constant 0 : i32
    return %arg0, %c0_i32 : i32, i32
  }
}

</mosaic_0001>

<sc_bundles>
// kernel: kernel.6.cloned.1.call-start
scs
__scs_entry_jumppad:
0x0: {  	(pc) =	sbr.rel $0x88, $3  }
0x1: {  	(tag) =	ssettag $0x0;
	lr =	simm.s32 $0x1  }
0x2: {  	[smem:$0x3F9D] =	sst lr;
	_ =	strace $0xD0000000  }
0x3: {  	_ = 	snop  }
0x4: {  	_ = 	snop  }
0x5: {  	_ = 	snop  }
0x6: {  	_ = 	snop  }
0x7: {  	_ = 	snop  }
__scs_overlays_trampoline_lowered:
0x8: {  	[smem:$0x3FAC] =	sst s0  }
0x9: {  	[smem:$0x3FAD] =	sst s1  }
0xa: {  	[smem:$0x3FAE] =	sst s2  }
0xb: {  	[smem:$0x3FAF] =	sst s3  }
0xc: {  	[smem:$0x3FB0] =	sst s4  }
0xd: {  	[smem:$0x3FB1] =	sst s5  }
0xe: {  	[smem:$0x3FB2] =	sst s6  }
0xf: {  	[smem:$0x3FB3] =	sst s7  }
0x10: {  	[smem:$0x3FB4] =	sst s8  }
0x11: {  	[smem:$0x3FB5] =	sst s9;
	s0 =	simm.s32 @!p0 $0x0  }
0x12: {  	s1 =	sld [smem:$0x3F9B];
	s0 =	simm.s32 @p0 $0x1  }
0x13: {  	[smem:$0x3FB6] =	sst s0;
	s0 =	simm.s32 @!p1 $0x0  }
0x14: {  	s2 =	sld [smem:$0x3F9A];
	s0 =	simm.s32 @p1 $0x1  }
0x15: {  	[smem:$0x3FB7] =	sst s0;
	s0 =	simm.s32 @!p2 $0x0  }
0x16: {  	s3 =	sld [smem:$0x3FDB];
	s0 =	simm.s32 @p2 $0x1  }
0x17: {  	s4 =	simm.s32 $0x1BF5;
	[smem:$0x3FB9] =	sst s0  }
0x18: {  	s0 =	sld [smem:$0x3F9C];
	_ =	swait.ge [sflag:s4], $0x0  }
0x19: {  	s7 =	sld [smem:$0x3F9D]  }
0x1a: {  	s8 =	sadd.s32 $0xFFFFE003, lr  }
0x1b: {  	s9 =	sadd.s32 $0xFFFFFEF7, lr;
	s5 =	simm.s32 $0xFFFFFFFF;
	p2 =	slt.u32 s8, $0xFFFFF086  }
0x1c: {  	p1 =	slt.u32 s9, $0xF7A;
	s5 =	simm.s32 @!p2 $0x0  }
0x1d: {  	s5 =	simm.s32 @p1 $0x1;
	p0 =	seq.s32 s7, s2  }
0x1e: {  	s7 =	smul.u32 @!p0 $0xF7A, s2;
	p2 =	seq.s32 @!p0 s5, $0x0  }
0x1f: {  	s9 =	smul.u32 $0xF7A, s1;
	s8 =	simm.s32 @!p0 $0x1BF5;
	p2 =	por !p2, p0  }
0x20: {  	[sflag:s8] =	ssyncset.s32 @!p0 $0xFFFFF086;
	s6 =	sadd.s32 @!p0 s3, s7;
	s7 =	simm.s32 @!p0 $0x108  }
0x21: {  	s3 =	sadd.s32 s3, s9;
	s6 =	sadd.s32 @!p0 $0x88, s6;
	s7 =	simm.s32 @p2 $0x1082  }
0x22: {  	[simem:s7], [sflag:s8] =	dma.local @!p0 [hbm:s6], $0xF7A  }
0x23: {  	s9 =	sor.u32 $0xD0000000, s2;
	s6 =	simm.s32 $0x108;
	_ =	swait.ge @!p0 [sflag:s8], $0x0  }
0x24: {  	s3 =	sadd.s32 $0x88, s3;
	s6 =	simm.s32 @!p1 $0x1082;
	[sflag:s4] =	ssyncset.s32 $0xFFFFF086  }
0x25: {  	[simem:s6], [sflag:s4] =	dma.local [hbm:s3], $0xF7A  }
0x26: {  	[smem:$0x3F9D] =	sst s1;
	(tag) =	ssettag s2;
	_ =	strace s9  }
0x27: {  	s1 =	sld [smem:$0x3FAD]  }
0x28: {  	s2 =	sld [smem:$0x3FAE]  }
0x29: {  	s4 =	sld [smem:$0x3FB0]  }
0x2a: {  	p0 =	seq.s32 s5, $0x0;
	s5 =	sld [smem:$0x3FB1]  }
0x2b: {  	s6 =	sld [smem:$0x3FB2]  }
0x2c: {  	s7 =	sld [smem:$0x3FB3]  }
0x2d: {  	s3 =	simm.s32 $0x108;
	s8 =	sld [smem:$0x3FB4]  }
0x2e: {  	s3 =	simm.s32 @!p0 $0x1082;
	s9 =	sld [smem:$0x3FB5]  }
0x2f: {  	lr =	sadd.s32 s0, s3;
	s0 =	sld [smem:$0x3FAC]  }
0x30: {  	s3 =	sld [smem:$0x3FAF]  }
0x31: {  	[smem:$0x3FB8] =	sst s10  }
0x32: {  	s10 =	sld [smem:$0x3FB6];
	_ =	sdelay $0x3  }
0x33: {  	p0 =	seq.s32 s10, $0x1;
	s10 =	sld [smem:$0x3FB8];
	_ =	sdelay $0x3  }
0x34: {  	[smem:$0x3FB8] =	sst s10  }
0x35: {  	s10 =	sld [smem:$0x3FB7];
	_ =	sdelay $0x3  }
0x36: {  	p1 =	seq.s32 s10, $0x1;
	s10 =	sld [smem:$0x3FB8];
	_ =	sdelay $0x3  }
0x37: {  	[smem:$0x3FB8] =	sst s10  }
0x38: {  	s10 =	sld [smem:$0x3FB9]  }
0x39: {  	_ = 	snop;
	(pc) =	sbr.ind lr, $3  }
0x3a: {  	_ = 	snop  }
0x3b: {  	_ = 	snop  }
0x3c: {  	p2 =	seq.s32 s10, $0x1;
	s10 =	sld [smem:$0x3FB8]  }
0x3d: {  	_ =	shalt  }
0x3e: {  	_ =	shalt  }
0x3f: {  	_ =	shalt  }
0x40: {  	_ =	shalt  }
0x41: {  	_ =	shalt  }
0x42: {  	_ =	shalt  }
0x43: {  	_ =	shalt  }
0x44: {  	_ =	shalt  }
0x45: {  	_ =	shalt  }
0x46: {  	_ =	shalt  }
0x47: {  	_ =	shalt  }
0x48: {  	_ =	shalt  }
0x49: {  	_ =	shalt  }
0x4a: {  	_ =	shalt  }
0x4b: {  	_ =	shalt  }
0x4c: {  	_ =	shalt  }
0x4d: {  	_ =	shalt  }
0x4e: {  	_ =	shalt  }
0x4f: {  	_ =	shalt  }
0x50: {  	_ =	shalt  }
0x51: {  	_ =	shalt  }
0x52: {  	_ =	shalt  }
0x53: {  	_ =	shalt  }
0x54: {  	_ =	shalt  }
0x55: {  	_ =	shalt  }
0x56: {  	_ =	shalt  }
0x57: {  	_ =	shalt  }
0x58: {  	_ =	shalt  }
0x59: {  	_ =	shalt  }
0x5a: {  	_ =	shalt  }
0x5b: {  	_ =	shalt  }
0x5c: {  	_ =	shalt  }
0x5d: {  	_ =	shalt  }
0x5e: {  	_ =	shalt  }
0x5f: {  	_ =	shalt  }
0x60: {  	_ =	shalt  }
0x61: {  	_ =	shalt  }
0x62: {  	_ =	shalt  }
0x63: {  	_ =	shalt  }
0x64: {  	_ =	shalt  }
0x65: {  	_ =	shalt  }
0x66: {  	_ =	shalt  }
0x67: {  	_ =	shalt  }
0x68: {  	_ =	shalt  }
0x69: {  	_ =	shalt  }
0x6a: {  	_ =	shalt  }
0x6b: {  	_ =	shalt  }
0x6c: {  	_ =	shalt  }
0x6d: {  	_ =	shalt  }
0x6e: {  	_ =	shalt  }
0x6f: {  	_ =	shalt  }
0x70: {  	_ =	shalt  }
0x71: {  	_ =	shalt  }
0x72: {  	_ =	shalt  }
0x73: {  	_ =	shalt  }
0x74: {  	_ =	shalt  }
0x75: {  	_ =	shalt  }
0x76: {  	_ =	shalt  }
0x77: {  	_ =	shalt  }
0x78: {  	_ =	shalt  }
0x79: {  	_ =	shalt  }
0x7a: {  	_ =	shalt  }
0x7b: {  	_ =	shalt  }
0x7c: {  	_ =	shalt  }
0x7d: {  	_ =	shalt  }
0x7e: {  	_ =	shalt  }
0x7f: {  	_ =	shalt  }
0x80: {  	_ =	shalt  }
0x81: {  	_ =	shalt  }
0x82: {  	_ =	shalt  }
0x83: {  	_ =	shalt  }
0x84: {  	_ =	shalt  }
0x85: {  	_ =	shalt  }
0x86: {  	_ =	shalt  }
0x87: {  	_ =	shalt  }
.Lfunc_end0:
.L_simem_size_0:
called_computation_lowered:
.L_overlay_start_0:
0x88: {  	s2 =	sld [smem:$0x3FD9]  }
0x89: {  	s3 =	sld [smem:$0x3FFE];
	_ =	sdelay $0x1  }
0x8a: {  	s1 =	srdreg.scid  }
0x8b: {  	s0 =	sand.u32 $0x1, s1  }
0x8c: {  	s17 =	sshll.u32 s0, $0xA;
	s2 =	sadd.s32 s3, s2  }
0x8d: {  	s2 =	sadd.s32 s2, s17  }
0x8e: {  	[smem:$0x3FC4] =	sst s2  }
0x8f: {  	_ = 	snop  }
0x90: {  	s2 =	sld [smem:$0x3FD0];
	(tm) =	ssettm $0x1  }
0x91: {  	s18 =	sld [smem:$0x3FFB];
	_ =	sdelay $0x3  }
0x92: {  	_ =	strace s18  }
0x93: {  	s3 =	sld [smem:$0x3FFC];
	_ =	sdelay $0x3  }
0x94: {  	_ =	strace s3  }
0x95: {  	s3 =	sld [smem:$0x3FFD];
	_ =	sdelay $0x3  }
0x96: {  	_ =	strace s3  }
0x97: {  	_ =	strace $0x8FFFFFFF  }
0x98: {  	s19 =	sld [smem:$0x3FDB];
	_ =	sdelay $0x1  }
0x99: {  	s4 =	simm.s32 $_scs_section_size  }
0x9a: {  	s5 =	simm.s32 $_size__tile_overlayer_lowered;
	s6 =	simm.s32 $_tile_overlayer_lowered  }
0x9b: {  	s22 =	simm.s32 $0x1BFF;
	s21 =	sshll.u32 s6, $0x1;
	s3 =	sadd.s32 s4, s19  }
0x9c: {  	s7 =	simm.s32 $0x0;
	s20 =	sshll.u32 s5, $0x1;
	s5 =	sadd.s32 s21, s3  }
0x9d: {  	[timem:s7], [sflag:s22] =	dma.local [hbm:s5], s20  }
0x9e: {  	_ =	swait.ge [sflag:s22], s20  }
0x9f: {  	s4 =	ssub.s32 $0x0, s20;
	[sflag:s22] =	ssyncset.done $0x0  }
0xa0: {  	[sflag:s22] =	ssyncadd.s32 s4;
	_ =	sdelay $0x1  }
0xa1: {  	s23 =	simm.s32 $0x1B8B  }
0xa2: {  	_ =	swait.ge [sflag:s23], $0x1  }
0xa3: {  	[sflag:s23] =	ssyncset.done $0x0  }
0xa4: {  	s25 =	simm.s32 $0x1B8E;
	s24 =	sld [smem:$0x3FFE];
	[sflag:s23] =	ssyncadd.s32 $0xFFFFFFFF  }
0xa5: {  	s26 =	simm.s32 $execute0_lowered;
	[smem:$0x3FD2] =	sst s25  }
0xa6: {  	s5 =	sshll.u32 s26, $0x1;
	_ =	strace $0x80000046;
	[dreg:$0x1] =	wrdreg $0xFFFFFFFF  }
0xa7: {  	s28 =	simm.s32 $_size_execute0_lowered;
	s3 =	sadd.s32 s3, s5;
	[dreg:$0x0] =	wrdreg $0x0  }
0xa8: {  	s5 =	sshll.u32 s28, $0x1;
	[dreg:$0x2] =	wrdreg s3  }
0xa9: {  	[dreg:$0x3] =	wrdreg s5  }
0xaa: {  	[dreg:$0x4] =	wrdreg $0xC0  }
0xab: {  	_ =	task [dreg:s7], $0x5FFFF  }
0xac: {  	[dreg:$0x1] =	wrdreg $0xFFFFFFFF  }
0xad: {  	[dreg:$0x0] =	wrdreg $0x60  }
0xae: {  	[dreg:$0x2] =	wrdreg s2  }
0xaf: {  	[dreg:$0x3] =	wrdreg s24  }
0xb0: {  	[dreg:$0x4] =	wrdreg $0x9  }
0xb1: {  	_ =	task.clear_ibuf [dreg:s7], $0x5FFFF;
	_ =	strace $0x90000046  }
0xb2: {  	s29 =	simm.s32 $0x9;
	_ =	strace $0x80000048  }
0xb3: {  	_ =	swait.ge [sflag:s29], $0x1  }
0xb4: {  	[sflag:s29] =	ssyncadd.s32 $0xFFFFFFFF  }
0xb5: {  	_ =	strace $0x90000048  }
0xb6: {  	_ =	sfence  }
0xb7: {  	s30 =	sld [smem:$0x0];
	_ =	sdelay $0x2  }
0xb8: {  	s31 =	sshll.u32 s1, $0xD;
	s1 =	sshrl.u32 s1, $0x2  }
0xb9: {  	s3 =	sand.u32 $0x4000, s31;
	s1 =	sadd.s32 s1, s30  }
0xba: {  	s0 =	sor.u32 s3, s0;
	s1 =	sshll.u32 s1, $0x11  }
0xbb: {  	s0 =	sor.u32 s1, s0  }
0xbc: {  	s0 =	sadd.s32 $0x8F2B, s0  }
0xbd: {  	[sflag:s0] =	ssyncadd.remote.s32 $0x1  }
0xbe: {  	_ =	sfence.sel $0xFFFF  }
0xbf: {  	[dreg:$0x0] =	wrdreg $0xFFFFFFFF;
	(pc) =	sbr.abs _section_cstart, $3  }
0xc0: {  	[dreg:$0x1] =	wrdreg $0xFFFFFFFF  }
0xc1: {  	_ =	task.clear_ibuf [dreg:s7], $0x2FFFF;
	_ =	strace $0x9FFFFFFF  }
0xc2: {  	(tm) =	ssettm $0x7FFFFFFF  }
0xc3: {  	_ =	shalt  }
tec
execute0_lowered:
.L_overlay_start_1:
0x0: {  	(tag) =	ssettag $0x1  }
0x1: {  	s0 =	srdreg.scid  }
0x2: {  	s1 =	stileid.u32;
	s2 =	rddreg [dreg:$0x0]  }
0x3: {  	s4 =	rddreg [dreg:$0x1];
	s3 =	simm.s32 $0x0;
	s16 =	simm.s32 $0x80  }
0x4: {  	s8 =	simm.s32 $0xD480;
	s0 =	sand.u32 $0x1, s0;
	s1 =	sshll.u32 s1, $0x1  }
0x5: {  	s9 =	simm.s32 $0xD880;
	s10 =	simm.s32 $0xE080;
	s1 =	sor.u32 s0, s1  }
0x6: {  	s11 =	simm.s32 $0xE480;
	s12 =	simm.s32 $0xEC80;
	s1 =	smul.u32 $0x280, s1  }
0x7: {  	s13 =	simm.s32 $0xF080;
	s15 =	simm.s32 $0xF880;
	s28 =	simm.s32 $0x13480  }
0x8: {  	s29 =	simm.s32 $0x13880;
	s30 =	simm.s32 $0x14080;
	s1 =	sshrl.u32 s1, $0x3  }
0x9: {  	[smem:$0x7FF] =	sst s3;
	s5 =	smul.u32 $0x180, s1;
	s1 =	sadd.s32 s1, s4  }
0xa: {  	s31 =	simm.s32 $0x14480;
	_ =	strace $0x80000047;
	s18 =	sadd.s32 $0x600, s1  }
0xb: {  	s0 =	ssub.s32 $0x2, s0;
	s20 =	sadd.s32 $0x610, s1;
	[dreg:$0x3] =	wrdreg s18  }
0xc: {  	s6 =	sshrl.u32 s0, $0x1;
	s22 =	sadd.s32 $0x620, s1;
	[dreg:$0x5] =	wrdreg s20  }
0xd: {  	s0 =	ssub.s32 s0, s6;
	s24 =	sadd.s32 $0x630, s1;
	[dreg:$0x7] =	wrdreg s22  }
0xe: {  	s6 =	simm.s32 $0x3;
	s1 =	sadd.s32 $0x640, s1;
	[dreg:$0x9] =	wrdreg s24  }
0xf: {  	s5 =	sadd.s32 s5, s4;
	s4 =	sadd.s32 $0x100, s2;
	[dreg:$0xb] =	wrdreg s1  }
0x10: {  	s1 =	simm.s32 $0x1;
	s18 =	simm.s32 $0xFC80;
	s19 =	sadd.s32 $0x1000, s5  }
0x11: {  	s20 =	simm.s32 $0x10880;
	s21 =	sadd.s32 $0x2800, s5;
	[dreg:$0x4] =	wrdreg s19  }
0x12: {  	s22 =	simm.s32 $0x11480;
	s23 =	sadd.s32 $0x4000, s5;
	[dreg:$0x6] =	wrdreg s21  }
0x13: {  	s24 =	simm.s32 $0x12080;
	s25 =	sadd.s32 $0x5800, s5;
	[dreg:$0x8] =	wrdreg s23  }
0x14: {  	v2 =	vlaneseq.u32;
	s26 =	sadd.s32 $0x7000, s5;
	s5 =	smax.u32 s0, $0x1;
	[dreg:$0xa] =	wrdreg s25  }
0x15: {  	vm0 =	vmmov $0xffff;
	vm1 =	vmmov $0xff;
	v1 =	vshrl.u32 v2, $0x3;
	[dreg:$0xc] =	wrdreg s26;
	s19 =	simm.s32 $0x10480;
	s21 =	simm.s32 $0x11080  }
0x16: {  	v0 =	vand.u32 $0x7, v2;
	v2 =	vor.u32 $0x8, v2;
	v1 =	vmul.u32 $0x8, v1;
	s23 =	simm.s32 $0x11C80;
	s25 =	simm.s32 $0x12880;
	s26 =	simm.s32 $0x12C80  }
.LBB2_1:
0x17: {  	s17 =	rddreg [dreg:$0x3]  }
0x18: {  	[tilespmem:s3], [sflag:$0x3] =	stream.linear.gather [hbm4b:s17+s3], $0x80, $0x38;
	[tilespmem:$0x18080] =	vst v63  }
0x19: {  	_ =	swait.ge [sflag:s6], $0x80  }
0x1a: {  	[sflag:s6] =	ssyncset.done $0x0  }
0x1b: {  	[sflag:s6] =	ssyncadd.s32 $0xFFFFFF80  }
0x1c: {  	v3 =	vld [tilespmem:$0x0];
	_ =	sdelay $0x4  }
0x1d: {  	v4 =	vshrl.u32 v3, $0x3  }
0x1e: {  	v4 =	vmul.u32 $0x18, v4  }
0x1f: {  	v3 =	vand.u32 $0x7, v3  }
0x20: {  	v3 =	vor.u32 v3, v4  }
0x21: {  	v4 =	vperm.xlane v3, v0;
	_ =	sdelay $0x1  }
0x22: {  	v4 =	vadd.s32 v1, v4;
	_ =	sdelay $0x1  }
0x23: {  	v3 =	vperm.xlane v3, v2;
	_ =	sdelay $0x1  }
0x24: {  	v3 =	vadd.s32 v1, v3  }
0x25: {  	[tilespmem:s16], [sflag:$0x1] =	stream.indirect_vreg.gather [hbm4b:s2+s3], $0x80, v4, vm0, $0xb8;
	[tilespmem:$0x18080] =	vst v63  }
0x26: {  	s0 =	simm.s32 $0x880  }
0x27: {  	[tilespmem:s0], [sflag:$0x1] =	stream.indirect_vreg.gather [hbm4b:s4+s3], $0x80, v4, vm1, $0xb8;
	[tilespmem:$0x18080] =	vst v63  }
0x28: {  	s7 =	simm.s32 $0xC80  }
0x29: {  	[tilespmem:s7], [sflag:$0x1] =	stream.indirect_vreg.gather [hbm4b:s2+s3], $0x80, v3, vm0, $0xb8;
	[tilespmem:$0x18080] =	vst v63  }
0x2a: {  	s14 =	simm.s32 $0x1480  }
0x2b: {  	[tilespmem:s14], [sflag:$0x1] =	stream.indirect_vreg.gather [hbm4b:s4+s3], $0x80, v3, vm1, $0xb8;
	[tilespmem:$0x18080] =	vst v63  }
0x2c: {  	v3 =	vld [tilespmem:$0x10];
	_ =	sdelay $0x4  }
0x2d: {  	v25 =	vshrl.u32 v3, $0x3  }
0x2e: {  	v4 =	vmul.u32 $0x18, v25  }
0x2f: {  	v3 =	vand.u32 $0x7, v3  }
0x30: {  	v3 =	vor.u32 v3, v4  }
0x31: {  	v4 =	vperm.xlane v3, v0;
	_ =	sdelay $0x1  }
0x32: {  	v4 =	vadd.s32 v1, v4;
	_ =	sdelay $0x1  }
0x33: {  	v3 =	vperm.xlane v3, v2;
	_ =	sdelay $0x1  }
0x34: {  	s17 =	simm.s32 $0x1880;
	v3 =	vadd.s32 v1, v3  }
0x35: {  	[tilespmem:s17], [sflag:$0x1] =	stream.indirect_vreg.gather [hbm4b:s2+s3], $0x80, v4, vm0, $0xb8;
	[tilespmem:$0x18080] =	vst v63  }
0x36: {  	s7 =	simm.s32 $0x2080  }
0x37: {  	[tilespmem:s7], [sflag:$0x1] =	stream.indirect_vreg.gather [hbm4b:s4+s3], $0x80, v4, vm1, $0xb8;
	[tilespmem:$0x18080] =	vst v63  }
0x38: {  	s14 =	simm.s32 $0x2480  }
0x39: {  	[tilespmem:s14], [sflag:$0x1] =	stream.indirect_vreg.gather [hbm4b:s2+s3], $0x80, v3, vm0, $0xb8;
	[tilespmem:$0x18080] =	vst v63  }
0x3a: {  	s17 =	simm.s32 $0x2C80  }
0x3b: {  	[tilespmem:s17], [sflag:$0x1] =	stream.indirect_vreg.gather [hbm4b:s4+s3], $0x80, v3, vm1, $0xb8;
	[tilespmem:$0x18080] =	vst v63  }
0x3c: {  	v3 =	vld [tilespmem:$0x20];
	_ =	sdelay $0x4  }
0x3d: {  	v26 =	vshrl.u32 v3, $0x3  }
0x3e: {  	v4 =	vmul.u32 $0x18, v26  }
0x3f: {  	v3 =	vand.u32 $0x7, v3  }
0x40: {  	v3 =	vor.u32 v3, v4  }
0x41: {  	v4 =	vperm.xlane v3, v0;
	_ =	sdelay $0x1  }
0x42: {  	v4 =	vadd.s32 v1, v4;
	_ =	sdelay $0x1  }
0x43: {  	v3 =	vperm.xlane v3, v2;
	_ =	sdelay $0x1  }
0x44: {  	s7 =	simm.s32 $0x3080;
	v3 =	vadd.s32 v1, v3  }
0x45: {  	[tilespmem:s7], [sflag:$0x1] =	stream.indirect_vreg.gather [hbm4b:s2+s3], $0x80, v4, vm0, $0xb8;
	[tilespmem:$0x18080] =	vst v63  }
0x46: {  	s14 =	simm.s32 $0x3880  }
0x47: {  	[tilespmem:s14], [sflag:$0x1] =	stream.indirect_vreg.gather [hbm4b:s4+s3], $0x80, v4, vm1, $0xb8;
	[tilespmem:$0x18080] =	vst v63  }
0x48: {  	s17 =	simm.s32 $0x3C80  }
0x49: {  	[tilespmem:s17], [sflag:$0x1] =	stream.indirect_vreg.gather [hbm4b:s2+s3], $0x80, v3, vm0, $0xb8;
	[tilespmem:$0x18080] =	vst v63  }
0x4a: {  	s7 =	simm.s32 $0x4480  }
0x4b: {  	[tilespmem:s7], [sflag:$0x1] =	stream.indirect_vreg.gather [hbm4b:s4+s3], $0x80, v3, vm1, $0xb8;
	[tilespmem:$0x18080] =	vst v63  }
0x4c: {  	v3 =	vld [tilespmem:$0x30];
	_ =	sdelay $0x4  }
0x4d: {  	v27 =	vshrl.u32 v3, $0x3  }
0x4e: {  	v4 =	vmul.u32 $0x18, v27  }
0x4f: {  	v3 =	vand.u32 $0x7, v3  }
0x50: {  	v3 =	vor.u32 v3, v4  }
0x51: {  	v4 =	vperm.xlane v3, v0;
	_ =	sdelay $0x1  }
0x52: {  	v4 =	vadd.s32 v1, v4;
	_ =	sdelay $0x1  }
0x53: {  	v3 =	vperm.xlane v3, v2;
	_ =	sdelay $0x1  }
0x54: {  	s14 =	simm.s32 $0x4880;
	v3 =	vadd.s32 v1, v3  }
0x55: {  	[tilespmem:s14], [sflag:$0x1] =	stream.indirect_vreg.gather [hbm4b:s2+s3], $0x80, v4, vm0, $0xb8;
	[tilespmem:$0x18080] =	vst v63  }
0x56: {  	s17 =	simm.s32 $0x5080  }
0x57: {  	[tilespmem:s17], [sflag:$0x1] =	stream.indirect_vreg.gather [hbm4b:s4+s3], $0x80, v4, vm1, $0xb8;
	[tilespmem:$0x18080] =	vst v63  }
0x58: {  	s7 =	simm.s32 $0x5480  }
0x59: {  	[tilespmem:s7], [sflag:$0x1] =	stream.indirect_vreg.gather [hbm4b:s2+s3], $0x80, v3, vm0, $0xb8;
	[tilespmem:$0x18080] =	vst v63  }
0x5a: {  	s14 =	simm.s32 $0x5C80  }
0x5b: {  	[tilespmem:s14], [sflag:$0x1] =	stream.indirect_vreg.gather [hbm4b:s4+s3], $0x80, v3, vm1, $0xb8;
	[tilespmem:$0x18080] =	vst v63  }
0x5c: {  	v3 =	vld [tilespmem:$0x40];
	_ =	sdelay $0x4  }
0x5d: {  	v28 =	vshrl.u32 v3, $0x3  }
0x5e: {  	v4 =	vmul.u32 $0x18, v28  }
0x5f: {  	v3 =	vand.u32 $0x7, v3  }
0x60: {  	v3 =	vor.u32 v3, v4  }
0x61: {  	v4 =	vperm.xlane v3, v0;
	_ =	sdelay $0x1  }
0x62: {  	v4 =	vadd.s32 v1, v4;
	_ =	sdelay $0x1  }
0x63: {  	v3 =	vperm.xlane v3, v2;
	_ =	sdelay $0x1  }
0x64: {  	s17 =	simm.s32 $0x6080;
	v3 =	vadd.s32 v1, v3  }
0x65: {  	[tilespmem:s17], [sflag:$0x1] =	stream.indirect_vreg.gather [hbm4b:s2+s3], $0x80, v4, vm0, $0xb8;
	[tilespmem:$0x18080] =	vst v63  }
0x66: {  	s7 =	simm.s32 $0x6880  }
0x67: {  	[tilespmem:s7], [sflag:$0x1] =	stream.indirect_vreg.gather [hbm4b:s4+s3], $0x80, v4, vm1, $0xb8;
	[tilespmem:$0x18080] =	vst v63  }
0x68: {  	s14 =	simm.s32 $0x6C80  }
0x69: {  	[tilespmem:s14], [sflag:$0x1] =	stream.indirect_vreg.gather [hbm4b:s2+s3], $0x80, v3, vm0, $0xb8;
	[tilespmem:$0x18080] =	vst v63  }
0x6a: {  	s17 =	simm.s32 $0x7480  }
0x6b: {  	[tilespmem:s17], [sflag:$0x1] =	stream.indirect_vreg.gather [hbm4b:s4+s3], $0x80, v3, vm1, $0xb8;
	[tilespmem:$0x18080] =	vst v63  }
0x6c: {  	v3 =	vld [tilespmem:$0x50];
	_ =	sdelay $0x4  }
0x6d: {  	v29 =	vshrl.u32 v3, $0x3  }
0x6e: {  	v4 =	vmul.u32 $0x18, v29  }
0x6f: {  	v3 =	vand.u32 $0x7, v3  }
0x70: {  	v3 =	vor.u32 v3, v4  }
0x71: {  	v4 =	vperm.xlane v3, v0;
	_ =	sdelay $0x1  }
0x72: {  	v4 =	vadd.s32 v1, v4;
	_ =	sdelay $0x1  }
0x73: {  	v3 =	vperm.xlane v3, v2;
	_ =	sdelay $0x1  }
0x74: {  	s7 =	simm.s32 $0x7880;
	v3 =	vadd.s32 v1, v3  }
0x75: {  	[tilespmem:s7], [sflag:$0x1] =	stream.indirect_vreg.gather [hbm4b:s2+s3], $0x80, v4, vm0, $0xb8;
	[tilespmem:$0x18080] =	vst v63  }
0x76: {  	s14 =	simm.s32 $0x8080  }
0x77: {  	[tilespmem:s14], [sflag:$0x1] =	stream.indirect_vreg.gather [hbm4b:s4+s3], $0x80, v4, vm1, $0xb8;
	[tilespmem:$0x18080] =	vst v63  }
0x78: {  	s17 =	simm.s32 $0x8480  }
0x79: {  	[tilespmem:s17], [sflag:$0x1] =	stream.indirect_vreg.gather [hbm4b:s2+s3], $0x80, v3, vm0, $0xb8;
	[tilespmem:$0x18080] =	vst v63  }
0x7a: {  	s7 =	simm.s32 $0x8C80  }
0x7b: {  	[tilespmem:s7], [sflag:$0x1] =	stream.indirect_vreg.gather [hbm4b:s4+s3], $0x80, v3, vm1, $0xb8;
	[tilespmem:$0x18080] =	vst v63  }
0x7c: {  	v3 =	vld [tilespmem:$0x60];
	_ =	sdelay $0x4  }
0x7d: {  	v30 =	vshrl.u32 v3, $0x3  }
0x7e: {  	v4 =	vmul.u32 $0x18, v30  }
0x7f: {  	v3 =	vand.u32 $0x7, v3  }
0x80: {  	v3 =	vor.u32 v3, v4  }
0x81: {  	v4 =	vperm.xlane v3, v0;
	_ =	sdelay $0x1  }
0x82: {  	v4 =	vadd.s32 v1, v4;
	_ =	sdelay $0x1  }
0x83: {  	v3 =	vperm.xlane v3, v2;
	_ =	sdelay $0x1  }
0x84: {  	s14 =	simm.s32 $0x9080;
	v3 =	vadd.s32 v1, v3  }
0x85: {  	[tilespmem:s14], [sflag:$0x1] =	stream.indirect_vreg.gather [hbm4b:s2+s3], $0x80, v4, vm0, $0xb8;
	[tilespmem:$0x18080] =	vst v63  }
0x86: {  	s17 =	simm.s32 $0x9880  }
0x87: {  	[tilespmem:s17], [sflag:$0x1] =	stream.indirect_vreg.gather [hbm4b:s4+s3], $0x80, v4, vm1, $0xb8;
	[tilespmem:$0x18080] =	vst v63  }
0x88: {  	s7 =	simm.s32 $0x9C80  }
0x89: {  	[tilespmem:s7], [sflag:$0x1] =	stream.indirect_vreg.gather [hbm4b:s2+s3], $0x80, v3, vm0, $0xb8;
	[tilespmem:$0x18080] =	vst v63  }
0x8a: {  	s14 =	simm.s32 $0xA480  }
0x8b: {  	[tilespmem:s14], [sflag:$0x1] =	stream.indirect_vreg.gather [hbm4b:s4+s3], $0x80, v3, vm1, $0xb8;
	[tilespmem:$0x18080] =	vst v63  }
0x8c: {  	v3 =	vld [tilespmem:$0x70];
	_ =	sdelay $0x4  }
0x8d: {  	v31 =	vshrl.u32 v3, $0x3  }
0x8e: {  	v4 =	vmul.u32 $0x18, v31  }
0x8f: {  	v3 =	vand.u32 $0x7, v3  }
0x90: {  	v3 =	vor.u32 v3, v4  }
0x91: {  	v4 =	vperm.xlane v3, v0;
	_ =	sdelay $0x1  }
0x92: {  	v4 =	vadd.s32 v1, v4;
	_ =	sdelay $0x1  }
0x93: {  	v3 =	vperm.xlane v3, v2;
	_ =	sdelay $0x1  }
0x94: {  	s17 =	simm.s32 $0xA880;
	v3 =	vadd.s32 v1, v3  }
0x95: {  	[tilespmem:s17], [sflag:$0x1] =	stream.indirect_vreg.gather [hbm4b:s2+s3], $0x80, v4, vm0, $0xb8;
	[tilespmem:$0x18080] =	vst v63  }
0x96: {  	s7 =	simm.s32 $0xB080  }
0x97: {  	[tilespmem:s7], [sflag:$0x1] =	stream.indirect_vreg.gather [hbm4b:s4+s3], $0x80, v4, vm1, $0xb8;
	[tilespmem:$0x18080] =	vst v63  }
0x98: {  	s14 =	simm.s32 $0xB480  }
0x99: {  	[tilespmem:s14], [sflag:$0x1] =	stream.indirect_vreg.gather [hbm4b:s2+s3], $0x80, v3, vm0, $0xb8;
	[tilespmem:$0x18080] =	vst v63  }
0x9a: {  	s17 =	simm.s32 $0xBC80  }
0x9b: {  	[tilespmem:s17], [sflag:$0x1] =	stream.indirect_vreg.gather [hbm4b:s4+s3], $0x80, v3, vm1, $0xb8;
	[tilespmem:$0x18080] =	vst v63  }
0x9c: {  	_ =	swait.ge [sflag:s1], $0xC000  }
0x9d: {  	[sflag:s1] =	ssyncset.done $0x0  }
0x9e: {  	s7 =	rddreg [dreg:$0x4];
	[sflag:s1] =	ssyncadd.s32 $0xFFFF4000  }
0x9f: {  	[hbm4b:s7+s3] =	stream.linear.scatter [tilespmem:s16], [sflag:$0x3], $0xC000, $0x38;
	[tilespmem:$0x18080] =	vst v63  }
0xa0: {  	_ =	swait.ge [sflag:s6], $0xC000  }
0xa1: {  	[sflag:s6] =	ssyncset.done $0x0  }
0xa2: {  	s14 =	rddreg [dreg:$0x5];
	[sflag:s6] =	ssyncadd.s32 $0xFFFF4000  }
0xa3: {  	[tilespmem:s3], [sflag:$0x3] =	stream.linear.gather [hbm4b:s14+s3], $0x80, $0x38;
	[tilespmem:$0x18080] =	vst v63  }
0xa4: {  	_ =	swait.ge [sflag:s6], $0x80  }
0xa5: {  	[sflag:s6] =	ssyncset.done $0x0  }
0xa6: {  	[sflag:s6] =	ssyncadd.s32 $0xFFFFFF80  }
0xa7: {  	v3 =	vld [tilespmem:$0x0];
	_ =	sdelay $0x4  }
0xa8: {  	v32 =	vshrl.u32 v3, $0x3  }
0xa9: {  	v4 =	vmul.u32 $0x18, v32  }
0xaa: {  	v3 =	vand.u32 $0x7, v3  }
0xab: {  	v3 =	vor.u32 v3, v4  }
0xac: {  	v4 =	vperm.xlane v3, v0;
	_ =	sdelay $0x1  }
0xad: {  	v4 =	vadd.s32 v1, v4;
	_ =	sdelay $0x1  }
0xae: {  	v3 =	vperm.xlane v3, v2;
	_ =	sdelay $0x1  }
0xaf: {  	s0 =	simm.s32 $0xC080;
	v3 =	vadd.s32 v1, v3  }
0xb0: {  	[tilespmem:s0], [sflag:$0x2] =	stream.indirect_vreg.gather [hbm4b:s2+s3], $0x80, v4, vm0, $0xb8;
	[tilespmem:$0x18080] =	vst v63  }
0xb1: {  	s7 =	simm.s32 $0xC880  }
0xb2: {  	[tilespmem:s7], [sflag:$0x2] =	stream.indirect_vreg.gather [hbm4b:s4+s3], $0x80, v4, vm1, $0xb8;
	[tilespmem:$0x18080] =	vst v63  }
0xb3: {  	s7 =	simm.s32 $0xCC80  }
0xb4: {  	[tilespmem:s7], [sflag:$0x2] =	stream.indirect_vreg.gather [hbm4b:s2+s3], $0x80, v3, vm0, $0xb8;
	[tilespmem:$0x18080] =	vst v63  }
0xb5: {  	_ = 	snop  }
0xb6: {  	[tilespmem:s8], [sflag:$0x2] =	stream.indirect_vreg.gather [hbm4b:s4+s3], $0x80, v3, vm1, $0xb8;
	[tilespmem:$0x18080] =	vst v63  }
0xb7: {  	v3 =	vld [tilespmem:$0x10];
	_ =	sdelay $0x4  }
0xb8: {  	v33 =	vshrl.u32 v3, $0x3  }
0xb9: {  	v4 =	vmul.u32 $0x18, v33  }
0xba: {  	v3 =	vand.u32 $0x7, v3  }
0xbb: {  	v3 =	vor.u32 v3, v4  }
0xbc: {  	v4 =	vperm.xlane v3, v0;
	_ =	sdelay $0x1  }
0xbd: {  	v4 =	vadd.s32 v1, v4;
	_ =	sdelay $0x1  }
0xbe: {  	v3 =	vperm.xlane v3, v2;
	_ =	sdelay $0x1  }
0xbf: {  	v3 =	vadd.s32 v1, v3  }
0xc0: {  	[tilespmem:s9], [sflag:$0x2] =	stream.indirect_vreg.gather [hbm4b:s2+s3], $0x80, v4, vm0, $0xb8;
	[tilespmem:$0x18080] =	vst v63  }
0xc1: {  	_ = 	snop  }
0xc2: {  	[tilespmem:s10], [sflag:$0x2] =	stream.indirect_vreg.gather [hbm4b:s4+s3], $0x80, v4, vm1, $0xb8;
	[tilespmem:$0x18080] =	vst v63  }
0xc3: {  	_ = 	snop  }
0xc4: {  	[tilespmem:s11], [sflag:$0x2] =	stream.indirect_vreg.gather [hbm4b:s2+s3], $0x80, v3, vm0, $0xb8;
	[tilespmem:$0x18080] =	vst v63  }
0xc5: {  	_ = 	snop  }
0xc6: {  	[tilespmem:s12], [sflag:$0x2] =	stream.indirect_vreg.gather [hbm4b:s4+s3], $0x80, v3, vm1, $0xb8;
	[tilespmem:$0x18080] =	vst v63  }
0xc7: {  	v3 =	vld [tilespmem:$0x20];
	_ =	sdelay $0x4  }
0xc8: {  	v34 =	vshrl.u32 v3, $0x3  }
0xc9: {  	v4 =	vmul.u32 $0x18, v34  }
0xca: {  	v3 =	vand.u32 $0x7, v3  }
0xcb: {  	v3 =	vor.u32 v3, v4  }
0xcc: {  	v4 =	vperm.xlane v3, v0;
	_ =	sdelay $0x1  }
0xcd: {  	v4 =	vadd.s32 v1, v4;
	_ =	sdelay $0x1  }
0xce: {  	v3 =	vperm.xlane v3, v2;
	_ =	sdelay $0x1  }
0xcf: {  	v3 =	vadd.s32 v1, v3  }
0xd0: {  	[tilespmem:s13], [sflag:$0x2] =	stream.indirect_vreg.gather [hbm4b:s2+s3], $0x80, v4, vm0, $0xb8;
	[tilespmem:$0x18080] =	vst v63  }
0xd1: {  	_ = 	snop  }
0xd2: {  	[tilespmem:s15], [sflag:$0x2] =	stream.indirect_vreg.gather [hbm4b:s4+s3], $0x80, v4, vm1, $0xb8;
	[tilespmem:$0x18080] =	vst v63  }
0xd3: {  	_ = 	snop  }
0xd4: {  	[tilespmem:s18], [sflag:$0x2] =	stream.indirect_vreg.gather [hbm4b:s2+s3], $0x80, v3, vm0, $0xb8;
	[tilespmem:$0x18080] =	vst v63  }
0xd5: {  	_ = 	snop  }
0xd6: {  	[tilespmem:s19], [sflag:$0x2] =	stream.indirect_vreg.gather [hbm4b:s4+s3], $0x80, v3, vm1, $0xb8;
	[tilespmem:$0x18080] =	vst v63  }
0xd7: {  	v3 =	vld [tilespmem:$0x30];
	_ =	sdelay $0x4  }
0xd8: {  	v35 =	vshrl.u32 v3, $0x3  }
0xd9: {  	v4 =	vmul.u32 $0x18, v35  }
0xda: {  	v3 =	vand.u32 $0x7, v3  }
0xdb: {  	v3 =	vor.u32 v3, v4  }
0xdc: {  	v4 =	vperm.xlane v3, v0;
	_ =	sdelay $0x1  }
0xdd: {  	v4 =	vadd.s32 v1, v4;
	_ =	sdelay $0x1  }
0xde: {  	v3 =	vperm.xlane v3, v2;
	_ =	sdelay $0x1  }
0xdf: {  	v3 =	vadd.s32 v1, v3  }
0xe0: {  	[tilespmem:s20], [sflag:$0x2] =	stream.indirect_vreg.gather [hbm4b:s2+s3], $0x80, v4, vm0, $0xb8;
	[tilespmem:$0x18080] =	vst v63  }
0xe1: {  	_ = 	snop  }
0xe2: {  	[tilespmem:s21], [sflag:$0x2] =	stream.indirect_vreg.gather [hbm4b:s4+s3], $0x80, v4, vm1, $0xb8;
	[tilespmem:$0x18080] =	vst v63  }
0xe3: {  	_ = 	snop  }
0xe4: {  	[tilespmem:s22], [sflag:$0x2] =	stream.indirect_vreg.gather [hbm4b:s2+s3], $0x80, v3, vm0, $0xb8;
	[tilespmem:$0x18080] =	vst v63  }
0xe5: {  	_ = 	snop  }
0xe6: {  	[tilespmem:s23], [sflag:$0x2] =	stream.indirect_vreg.gather [hbm4b:s4+s3], $0x80, v3, vm1, $0xb8;
	[tilespmem:$0x18080] =	vst v63  }
0xe7: {  	v3 =	vld [tilespmem:$0x40];
	_ =	sdelay $0x4  }
0xe8: {  	v36 =	vshrl.u32 v3, $0x3  }
0xe9: {  	v4 =	vmul.u32 $0x18, v36  }
0xea: {  	v3 =	vand.u32 $0x7, v3  }
0xeb: {  	v3 =	vor.u32 v3, v4  }
0xec: {  	v4 =	vperm.xlane v3, v0;
	_ =	sdelay $0x1  }
0xed: {  	v4 =	vadd.s32 v1, v4;
	_ =	sdelay $0x1  }
0xee: {  	v3 =	vperm.xlane v3, v2;
	_ =	sdelay $0x1  }
0xef: {  	v3 =	vadd.s32 v1, v3  }
0xf0: {  	[tilespmem:s24], [sflag:$0x2] =	stream.indirect_vreg.gather [hbm4b:s2+s3], $0x80, v4, vm0, $0xb8;
	[tilespmem:$0x18080] =	vst v63  }
0xf1: {  	_ = 	snop  }
0xf2: {  	[tilespmem:s25], [sflag:$0x2] =	stream.indirect_vreg.gather [hbm4b:s4+s3], $0x80, v4, vm1, $0xb8;
	[tilespmem:$0x18080] =	vst v63  }
0xf3: {  	_ = 	snop  }
0xf4: {  	[tilespmem:s26], [sflag:$0x2] =	stream.indirect_vreg.gather [hbm4b:s2+s3], $0x80, v3, vm0, $0xb8;
	[tilespmem:$0x18080] =	vst v63  }
0xf5: {  	_ = 	snop  }
0xf6: {  	[tilespmem:s28], [sflag:$0x2] =	stream.indirect_vreg.gather [hbm4b:s4+s3], $0x80, v3, vm1, $0xb8;
	[tilespmem:$0x18080] =	vst v63  }
0xf7: {  	v3 =	vld [tilespmem:$0x50];
	_ =	sdelay $0x4  }
0xf8: {  	v37 =	vshrl.u32 v3, $0x3  }
0xf9: {  	v4 =	vmul.u32 $0x18, v37  }
0xfa: {  	v3 =	vand.u32 $0x7, v3  }
0xfb: {  	v3 =	vor.u32 v3, v4  }
0xfc: {  	v4 =	vperm.xlane v3, v0;
	_ =	sdelay $0x1  }
0xfd: {  	v4 =	vadd.s32 v1, v4;
	_ =	sdelay $0x1  }
0xfe: {  	v3 =	vperm.xlane v3, v2;
	_ =	sdelay $0x1  }
0xff: {  	v3 =	vadd.s32 v1, v3  }
0x100: {  	[tilespmem:s29], [sflag:$0x2] =	stream.indirect_vreg.gather [hbm4b:s2+s3], $0x80, v4, vm0, $0xb8;
	[tilespmem:$0x18080] =	vst v63  }
0x101: {  	_ = 	snop  }
0x102: {  	[tilespmem:s30], [sflag:$0x2] =	stream.indirect_vreg.gather [hbm4b:s4+s3], $0x80, v4, vm1, $0xb8;
	[tilespmem:$0x18080] =	vst v63  }
0x103: {  	_ = 	snop  }
0x104: {  	[tilespmem:s31], [sflag:$0x2] =	stream.indirect_vreg.gather [hbm4b:s2+s3], $0x80, v3, vm0, $0xb8;
	[tilespmem:$0x18080] =	vst v63  }
0x105: {  	s14 =	simm.s32 $0x14C80  }
0x106: {  	[tilespmem:s14], [sflag:$0x2] =	stream.indirect_vreg.gather [hbm4b:s4+s3], $0x80, v3, vm1, $0xb8;
	[tilespmem:$0x18080] =	vst v63  }
0x107: {  	v3 =	vld [tilespmem:$0x60];
	_ =	sdelay $0x4  }
0x108: {  	v38 =	vshrl.u32 v3, $0x3  }
0x109: {  	v4 =	vmul.u32 $0x18, v38  }
0x10a: {  	v3 =	vand.u32 $0x7, v3  }
0x10b: {  	v3 =	vor.u32 v3, v4  }
0x10c: {  	v4 =	vperm.xlane v3, v0;
	_ =	sdelay $0x1  }
0x10d: {  	v4 =	vadd.s32 v1, v4;
	_ =	sdelay $0x1  }
0x10e: {  	v3 =	vperm.xlane v3, v2;
	_ =	sdelay $0x1  }
0x10f: {  	s17 =	simm.s32 $0x15080;
	v3 =	vadd.s32 v1, v3  }
0x110: {  	[tilespmem:s17], [sflag:$0x2] =	stream.indirect_vreg.gather [hbm4b:s2+s3], $0x80, v4, vm0, $0xb8;
	[tilespmem:$0x18080] =	vst v63  }
0x111: {  	s17 =	simm.s32 $0x15880  }
0x112: {  	[tilespmem:s17], [sflag:$0x2] =	stream.indirect_vreg.gather [hbm4b:s4+s3], $0x80, v4, vm1, $0xb8;
	[tilespmem:$0x18080] =	vst v63  }
0x113: {  	s17 =	simm.s32 $0x15C80  }
0x114: {  	[tilespmem:s17], [sflag:$0x2] =	stream.indirect_vreg.gather [hbm4b:s2+s3], $0x80, v3, vm0, $0xb8;
	[tilespmem:$0x18080] =	vst v63  }
0x115: {  	s17 =	simm.s32 $0x16480  }
0x116: {  	[tilespmem:s17], [sflag:$0x2] =	stream.indirect_vreg.gather [hbm4b:s4+s3], $0x80, v3, vm1, $0xb8;
	[tilespmem:$0x18080] =	vst v63  }
0x117: {  	v3 =	vld [tilespmem:$0x70];
	_ =	sdelay $0x4  }
0x118: {  	v39 =	vshrl.u32 v3, $0x3  }
0x119: {  	v4 =	vmul.u32 $0x18, v39  }
0x11a: {  	v3 =	vand.u32 $0x7, v3  }
0x11b: {  	v3 =	vor.u32 v3, v4  }
0x11c: {  	v4 =	vperm.xlane v3, v0;
	_ =	sdelay $0x1  }
0x11d: {  	v4 =	vadd.s32 v1, v4;
	_ =	sdelay $0x1  }
0x11e: {  	v3 =	vperm.xlane v3, v2;
	_ =	sdelay $0x1  }
0x11f: {  	s17 =	simm.s32 $0x16880;
	v3 =	vadd.s32 v1, v3  }
0x120: {  	[tilespmem:s17], [sflag:$0x2] =	stream.indirect_vreg.gather [hbm4b:s2+s3], $0x80, v4, vm0, $0xb8;
	[tilespmem:$0x18080] =	vst v63  }
0x121: {  	s17 =	simm.s32 $0x17080  }
0x122: {  	[tilespmem:s17], [sflag:$0x2] =	stream.indirect_vreg.gather [hbm4b:s4+s3], $0x80, v4, vm1, $0xb8;
	[tilespmem:$0x18080] =	vst v63  }
0x123: {  	s17 =	simm.s32 $0x17480  }
0x124: {  	[tilespmem:s17], [sflag:$0x2] =	stream.indirect_vreg.gather [hbm4b:s2+s3], $0x80, v3, vm0, $0xb8;
	[tilespmem:$0x18080] =	vst v63  }
0x125: {  	s14 =	simm.s32 $0x2;
	s17 =	simm.s32 $0x17C80  }
0x126: {  	[tilespmem:s17], [sflag:$0x2] =	stream.indirect_vreg.gather [hbm4b:s4+s3], $0x80, v3, vm1, $0xb8;
	[tilespmem:$0x18080] =	vst v63  }
0x127: {  	_ =	swait.ge [sflag:s14], $0xC000  }
0x128: {  	[sflag:s14] =	ssyncset.done $0x0  }
0x129: {  	s17 =	rddreg [dreg:$0x6];
	[sflag:s14] =	ssyncadd.s32 $0xFFFF4000  }
0x12a: {  	[hbm4b:s17+s3] =	stream.linear.scatter [tilespmem:s0], [sflag:$0x3], $0xC000, $0x38;
	[tilespmem:$0x18080] =	vst v63  }
0x12b: {  	_ =	swait.ge [sflag:s6], $0xC000  }
0x12c: {  	[sflag:s6] =	ssyncset.done $0x0  }
0x12d: {  	s17 =	rddreg [dreg:$0x7];
	[sflag:s6] =	ssyncadd.s32 $0xFFFF4000  }
0x12e: {  	[tilespmem:s3], [sflag:$0x3] =	stream.linear.gather [hbm4b:s17+s3], $0x80, $0x38;
	[tilespmem:$0x18080] =	vst v63  }
0x12f: {  	_ =	swait.ge [sflag:s6], $0x80  }
0x130: {  	[sflag:s6] =	ssyncset.done $0x0  }
0x131: {  	[sflag:s6] =	ssyncadd.s32 $0xFFFFFF80  }
0x132: {  	v3 =	vld [tilespmem:$0x0];
	_ =	sdelay $0x4  }
0x133: {  	v40 =	vshrl.u32 v3, $0x3  }
0x134: {  	v4 =	vmul.u32 $0x18, v40  }
0x135: {  	v3 =	vand.u32 $0x7, v3  }
0x136: {  	v3 =	vor.u32 v3, v4  }
0x137: {  	v4 =	vperm.xlane v3, v0;
	_ =	sdelay $0x1  }
0x138: {  	v4 =	vadd.s32 v1, v4;
	_ =	sdelay $0x1  }
0x139: {  	v3 =	vperm.xlane v3, v2;
	_ =	sdelay $0x1  }
0x13a: {  	v3 =	vadd.s32 v1, v3  }
0x13b: {  	[tilespmem:s16], [sflag:$0x1] =	stream.indirect_vreg.gather [hbm4b:s2+s3], $0x80, v4, vm0, $0xb8;
	[tilespmem:$0x18080] =	vst v63  }
0x13c: {  	s17 =	simm.s32 $0x880  }
0x13d: {  	[tilespmem:s17], [sflag:$0x1] =	stream.indirect_vreg.gather [hbm4b:s4+s3], $0x80, v4, vm1, $0xb8;
	[tilespmem:$0x18080] =	vst v63  }
0x13e: {  	s17 =	simm.s32 $0xC80  }
0x13f: {  	[tilespmem:s17], [sflag:$0x1] =	stream.indirect_vreg.gather [hbm4b:s2+s3], $0x80, v3, vm0, $0xb8;
	[tilespmem:$0x18080] =	vst v63  }
0x140: {  	s17 =	simm.s32 $0x1480  }
0x141: {  	[tilespmem:s17], [sflag:$0x1] =	stream.indirect_vreg.gather [hbm4b:s4+s3], $0x80, v3, vm1, $0xb8;
	[tilespmem:$0x18080] =	vst v63  }
0x142: {  	v3 =	vld [tilespmem:$0x10];
	_ =	sdelay $0x4  }
0x143: {  	v41 =	vshrl.u32 v3, $0x3  }
0x144: {  	v4 =	vmul.u32 $0x18, v41  }
0x145: {  	v3 =	vand.u32 $0x7, v3  }
0x146: {  	v3 =	vor.u32 v3, v4  }
0x147: {  	v4 =	vperm.xlane v3, v0;
	_ =	sdelay $0x1  }
0x148: {  	v4 =	vadd.s32 v1, v4;
	_ =	sdelay $0x1  }
0x149: {  	v3 =	vperm.xlane v3, v2;
	_ =	sdelay $0x1  }
0x14a: {  	s17 =	simm.s32 $0x1880;
	v3 =	vadd.s32 v1, v3  }
0x14b: {  	[tilespmem:s17], [sflag:$0x1] =	stream.indirect_vreg.gather [hbm4b:s2+s3], $0x80, v4, vm0, $0xb8;
	[tilespmem:$0x18080] =	vst v63  }
0x14c: {  	s17 =	simm.s32 $0x2080  }
0x14d: {  	[tilespmem:s17], [sflag:$0x1] =	stream.indirect_vreg.gather [hbm4b:s4+s3], $0x80, v4, vm1, $0xb8;
	[tilespmem:$0x18080] =	vst v63  }
0x14e: {  	s17 =	simm.s32 $0x2480  }
0x14f: {  	[tilespmem:s17], [sflag:$0x1] =	stream.indirect_vreg.gather [hbm4b:s2+s3], $0x80, v3, vm0, $0xb8;
	[tilespmem:$0x18080] =	vst v63  }
0x150: {  	s17 =	simm.s32 $0x2C80  }
0x151: {  	[tilespmem:s17], [sflag:$0x1] =	stream.indirect_vreg.gather [hbm4b:s4+s3], $0x80, v3, vm1, $0xb8;
	[tilespmem:$0x18080] =	vst v63  }
0x152: {  	v3 =	vld [tilespmem:$0x20];
	_ =	sdelay $0x4  }
0x153: {  	v42 =	vshrl.u32 v3, $0x3  }
0x154: {  	v4 =	vmul.u32 $0x18, v42  }
0x155: {  	v3 =	vand.u32 $0x7, v3  }
0x156: {  	v3 =	vor.u32 v3, v4  }
0x157: {  	v4 =	vperm.xlane v3, v0;
	_ =	sdelay $0x1  }
0x158: {  	v4 =	vadd.s32 v1, v4;
	_ =	sdelay $0x1  }
0x159: {  	v3 =	vperm.xlane v3, v2;
	_ =	sdelay $0x1  }
0x15a: {  	s17 =	simm.s32 $0x3080;
	v3 =	vadd.s32 v1, v3  }
0x15b: {  	[tilespmem:s17], [sflag:$0x1] =	stream.indirect_vreg.gather [hbm4b:s2+s3], $0x80, v4, vm0, $0xb8;
	[tilespmem:$0x18080] =	vst v63  }
0x15c: {  	s17 =	simm.s32 $0x3880  }
0x15d: {  	[tilespmem:s17], [sflag:$0x1] =	stream.indirect_vreg.gather [hbm4b:s4+s3], $0x80, v4, vm1, $0xb8;
	[tilespmem:$0x18080] =	vst v63  }
0x15e: {  	s17 =	simm.s32 $0x3C80  }
0x15f: {  	[tilespmem:s17], [sflag:$0x1] =	stream.indirect_vreg.gather [hbm4b:s2+s3], $0x80, v3, vm0, $0xb8;
	[tilespmem:$0x18080] =	vst v63  }
0x160: {  	s17 =	simm.s32 $0x4480  }
0x161: {  	[tilespmem:s17], [sflag:$0x1] =	stream.indirect_vreg.gather [hbm4b:s4+s3], $0x80, v3, vm1, $0xb8;
	[tilespmem:$0x18080] =	vst v63  }
0x162: {  	v3 =	vld [tilespmem:$0x30];
	_ =	sdelay $0x4  }
0x163: {  	v43 =	vshrl.u32 v3, $0x3  }
0x164: {  	v4 =	vmul.u32 $0x18, v43  }
0x165: {  	v3 =	vand.u32 $0x7, v3  }
0x166: {  	v3 =	vor.u32 v3, v4  }
0x167: {  	v4 =	vperm.xlane v3, v0;
	_ =	sdelay $0x1  }
0x168: {  	v4 =	vadd.s32 v1, v4;
	_ =	sdelay $0x1  }
0x169: {  	v3 =	vperm.xlane v3, v2;
	_ =	sdelay $0x1  }
0x16a: {  	s17 =	simm.s32 $0x4880;
	v3 =	vadd.s32 v1, v3  }
0x16b: {  	[tilespmem:s17], [sflag:$0x1] =	stream.indirect_vreg.gather [hbm4b:s2+s3], $0x80, v4, vm0, $0xb8;
	[tilespmem:$0x18080] =	vst v63  }
0x16c: {  	s17 =	simm.s32 $0x5080  }
0x16d: {  	[tilespmem:s17], [sflag:$0x1] =	stream.indirect_vreg.gather [hbm4b:s4+s3], $0x80, v4, vm1, $0xb8;
	[tilespmem:$0x18080] =	vst v63  }
0x16e: {  	s17 =	simm.s32 $0x5480  }
0x16f: {  	[tilespmem:s17], [sflag:$0x1] =	stream.indirect_vreg.gather [hbm4b:s2+s3], $0x80, v3, vm0, $0xb8;
	[tilespmem:$0x18080] =	vst v63  }
0x170: {  	s17 =	simm.s32 $0x5C80  }
0x171: {  	[tilespmem:s17], [sflag:$0x1] =	stream.indirect_vreg.gather [hbm4b:s4+s3], $0x80, v3, vm1, $0xb8;
	[tilespmem:$0x18080] =	vst v63  }
0x172: {  	v3 =	vld [tilespmem:$0x40];
	_ =	sdelay $0x4  }
0x173: {  	v44 =	vshrl.u32 v3, $0x3  }
0x174: {  	v4 =	vmul.u32 $0x18, v44  }
0x175: {  	v3 =	vand.u32 $0x7, v3  }
0x176: {  	v3 =	vor.u32 v3, v4  }
0x177: {  	v4 =	vperm.xlane v3, v0;
	_ =	sdelay $0x1  }
0x178: {  	v4 =	vadd.s32 v1, v4;
	_ =	sdelay $0x1  }
0x179: {  	v3 =	vperm.xlane v3, v2;
	_ =	sdelay $0x1  }
0x17a: {  	s17 =	simm.s32 $0x6080;
	v3 =	vadd.s32 v1, v3  }
0x17b: {  	[tilespmem:s17], [sflag:$0x1] =	stream.indirect_vreg.gather [hbm4b:s2+s3], $0x80, v4, vm0, $0xb8;
	[tilespmem:$0x18080] =	vst v63  }
0x17c: {  	s17 =	simm.s32 $0x6880  }
0x17d: {  	[tilespmem:s17], [sflag:$0x1] =	stream.indirect_vreg.gather [hbm4b:s4+s3], $0x80, v4, vm1, $0xb8;
	[tilespmem:$0x18080] =	vst v63  }
0x17e: {  	s17 =	simm.s32 $0x6C80  }
0x17f: {  	[tilespmem:s17], [sflag:$0x1] =	stream.indirect_vreg.gather [hbm4b:s2+s3], $0x80, v3, vm0, $0xb8;
	[tilespmem:$0x18080] =	vst v63  }
0x180: {  	s17 =	simm.s32 $0x7480  }
0x181: {  	[tilespmem:s17], [sflag:$0x1] =	stream.indirect_vreg.gather [hbm4b:s4+s3], $0x80, v3, vm1, $0xb8;
	[tilespmem:$0x18080] =	vst v63  }
0x182: {  	v3 =	vld [tilespmem:$0x50];
	_ =	sdelay $0x4  }
0x183: {  	v45 =	vshrl.u32 v3, $0x3  }
0x184: {  	v4 =	vmul.u32 $0x18, v45  }
0x185: {  	v3 =	vand.u32 $0x7, v3  }
0x186: {  	v3 =	vor.u32 v3, v4  }
0x187: {  	v4 =	vperm.xlane v3, v0;
	_ =	sdelay $0x1  }
0x188: {  	v4 =	vadd.s32 v1, v4;
	_ =	sdelay $0x1  }
0x189: {  	v3 =	vperm.xlane v3, v2;
	_ =	sdelay $0x1  }
0x18a: {  	s17 =	simm.s32 $0x7880;
	v3 =	vadd.s32 v1, v3  }
0x18b: {  	[tilespmem:s17], [sflag:$0x1] =	stream.indirect_vreg.gather [hbm4b:s2+s3], $0x80, v4, vm0, $0xb8;
	[tilespmem:$0x18080] =	vst v63  }
0x18c: {  	s17 =	simm.s32 $0x8080  }
0x18d: {  	[tilespmem:s17], [sflag:$0x1] =	stream.indirect_vreg.gather [hbm4b:s4+s3], $0x80, v4, vm1, $0xb8;
	[tilespmem:$0x18080] =	vst v63  }
0x18e: {  	s17 =	simm.s32 $0x8480  }
0x18f: {  	[tilespmem:s17], [sflag:$0x1] =	stream.indirect_vreg.gather [hbm4b:s2+s3], $0x80, v3, vm0, $0xb8;
	[tilespmem:$0x18080] =	vst v63  }
0x190: {  	s17 =	simm.s32 $0x8C80  }
0x191: {  	[tilespmem:s17], [sflag:$0x1] =	stream.indirect_vreg.gather [hbm4b:s4+s3], $0x80, v3, vm1, $0xb8;
	[tilespmem:$0x18080] =	vst v63  }
0x192: {  	v3 =	vld [tilespmem:$0x60];
	_ =	sdelay $0x4  }
0x193: {  	v46 =	vshrl.u32 v3, $0x3  }
0x194: {  	v4 =	vmul.u32 $0x18, v46  }
0x195: {  	v3 =	vand.u32 $0x7, v3  }
0x196: {  	v3 =	vor.u32 v3, v4  }
0x197: {  	v4 =	vperm.xlane v3, v0;
	_ =	sdelay $0x1  }
0x198: {  	v4 =	vadd.s32 v1, v4;
	_ =	sdelay $0x1  }
0x199: {  	v3 =	vperm.xlane v3, v2;
	_ =	sdelay $0x1  }
0x19a: {  	s17 =	simm.s32 $0x9080;
	v3 =	vadd.s32 v1, v3  }
0x19b: {  	[tilespmem:s17], [sflag:$0x1] =	stream.indirect_vreg.gather [hbm4b:s2+s3], $0x80, v4, vm0, $0xb8;
	[tilespmem:$0x18080] =	vst v63  }
0x19c: {  	s17 =	simm.s32 $0x9880  }
0x19d: {  	[tilespmem:s17], [sflag:$0x1] =	stream.indirect_vreg.gather [hbm4b:s4+s3], $0x80, v4, vm1, $0xb8;
	[tilespmem:$0x18080] =	vst v63  }
0x19e: {  	s17 =	simm.s32 $0x9C80  }
0x19f: {  	[tilespmem:s17], [sflag:$0x1] =	stream.indirect_vreg.gather [hbm4b:s2+s3], $0x80, v3, vm0, $0xb8;
	[tilespmem:$0x18080] =	vst v63  }
0x1a0: {  	s17 =	simm.s32 $0xA480  }
0x1a1: {  	[tilespmem:s17], [sflag:$0x1] =	stream.indirect_vreg.gather [hbm4b:s4+s3], $0x80, v3, vm1, $0xb8;
	[tilespmem:$0x18080] =	vst v63  }
0x1a2: {  	v3 =	vld [tilespmem:$0x70];
	_ =	sdelay $0x4  }
0x1a3: {  	v47 =	vshrl.u32 v3, $0x3  }
0x1a4: {  	v4 =	vmul.u32 $0x18, v47  }
0x1a5: {  	v3 =	vand.u32 $0x7, v3  }
0x1a6: {  	v3 =	vor.u32 v3, v4  }
0x1a7: {  	v4 =	vperm.xlane v3, v0;
	_ =	sdelay $0x1  }
0x1a8: {  	v4 =	vadd.s32 v1, v4;
	_ =	sdelay $0x1  }
0x1a9: {  	v3 =	vperm.xlane v3, v2;
	_ =	sdelay $0x1  }
0x1aa: {  	s17 =	simm.s32 $0xA880;
	v3 =	vadd.s32 v1, v3  }
0x1ab: {  	[tilespmem:s17], [sflag:$0x1] =	stream.indirect_vreg.gather [hbm4b:s2+s3], $0x80, v4, vm0, $0xb8;
	[tilespmem:$0x18080] =	vst v63  }
0x1ac: {  	s17 =	simm.s32 $0xB080  }
0x1ad: {  	[tilespmem:s17], [sflag:$0x1] =	stream.indirect_vreg.gather [hbm4b:s4+s3], $0x80, v4, vm1, $0xb8;
	[tilespmem:$0x18080] =	vst v63  }
0x1ae: {  	s17 =	simm.s32 $0xB480  }
0x1af: {  	[tilespmem:s17], [sflag:$0x1] =	stream.indirect_vreg.gather [hbm4b:s2+s3], $0x80, v3, vm0, $0xb8;
	[tilespmem:$0x18080] =	vst v63  }
0x1b0: {  	s17 =	simm.s32 $0xBC80  }
0x1b1: {  	[tilespmem:s17], [sflag:$0x1] =	stream.indirect_vreg.gather [hbm4b:s4+s3], $0x80, v3, vm1, $0xb8;
	[tilespmem:$0x18080] =	vst v63  }
0x1b2: {  	_ =	swait.ge [sflag:s1], $0xC000  }
0x1b3: {  	[sflag:s1] =	ssyncset.done $0x0  }
0x1b4: {  	s17 =	rddreg [dreg:$0x8];
	[sflag:s1] =	ssyncadd.s32 $0xFFFF4000  }
0x1b5: {  	[hbm4b:s17+s3] =	stream.linear.scatter [tilespmem:s16], [sflag:$0x3], $0xC000, $0x38;
	[tilespmem:$0x18080] =	vst v63  }
0x1b6: {  	_ =	swait.ge [sflag:s6], $0xC000  }
0x1b7: {  	[sflag:s6] =	ssyncset.done $0x0  }
0x1b8: {  	s17 =	rddreg [dreg:$0x9];
	[sflag:s6] =	ssyncadd.s32 $0xFFFF4000  }
0x1b9: {  	[tilespmem:s3], [sflag:$0x3] =	stream.linear.gather [hbm4b:s17+s3], $0x80, $0x38;
	[tilespmem:$0x18080] =	vst v63  }
0x1ba: {  	_ =	swait.ge [sflag:s6], $0x80  }
0x1bb: {  	[sflag:s6] =	ssyncset.done $0x0  }
0x1bc: {  	[sflag:s6] =	ssyncadd.s32 $0xFFFFFF80  }
0x1bd: {  	v3 =	vld [tilespmem:$0x0];
	_ =	sdelay $0x4  }
0x1be: {  	v48 =	vshrl.u32 v3, $0x3  }
0x1bf: {  	v4 =	vmul.u32 $0x18, v48  }
0x1c0: {  	v3 =	vand.u32 $0x7, v3  }
0x1c1: {  	v3 =	vor.u32 v3, v4  }
0x1c2: {  	v4 =	vperm.xlane v3, v0;
	_ =	sdelay $0x1  }
0x1c3: {  	v4 =	vadd.s32 v1, v4;
	_ =	sdelay $0x1  }
0x1c4: {  	v3 =	vperm.xlane v3, v2;
	_ =	sdelay $0x1  }
0x1c5: {  	v3 =	vadd.s32 v1, v3  }
0x1c6: {  	[tilespmem:s0], [sflag:$0x2] =	stream.indirect_vreg.gather [hbm4b:s2+s3], $0x80, v4, vm0, $0xb8;
	[tilespmem:$0x18080] =	vst v63  }
0x1c7: {  	s17 =	simm.s32 $0xC880  }
0x1c8: {  	[tilespmem:s17], [sflag:$0x2] =	stream.indirect_vreg.gather [hbm4b:s4+s3], $0x80, v4, vm1, $0xb8;
	[tilespmem:$0x18080] =	vst v63  }
0x1c9: {  	_ = 	snop  }
0x1ca: {  	[tilespmem:s7], [sflag:$0x2] =	stream.indirect_vreg.gather [hbm4b:s2+s3], $0x80, v3, vm0, $0xb8;
	[tilespmem:$0x18080] =	vst v63  }
0x1cb: {  	_ = 	snop  }
0x1cc: {  	[tilespmem:s8], [sflag:$0x2] =	stream.indirect_vreg.gather [hbm4b:s4+s3], $0x80, v3, vm1, $0xb8;
	[tilespmem:$0x18080] =	vst v63  }
0x1cd: {  	v3 =	vld [tilespmem:$0x10];
	_ =	sdelay $0x4  }
0x1ce: {  	v49 =	vshrl.u32 v3, $0x3  }
0x1cf: {  	v4 =	vmul.u32 $0x18, v49  }
0x1d0: {  	v3 =	vand.u32 $0x7, v3  }
0x1d1: {  	v3 =	vor.u32 v3, v4  }
0x1d2: {  	v4 =	vperm.xlane v3, v0;
	_ =	sdelay $0x1  }
0x1d3: {  	v4 =	vadd.s32 v1, v4;
	_ =	sdelay $0x1  }
0x1d4: {  	v3 =	vperm.xlane v3, v2;
	_ =	sdelay $0x1  }
0x1d5: {  	v3 =	vadd.s32 v1, v3  }
0x1d6: {  	[tilespmem:s9], [sflag:$0x2] =	stream.indirect_vreg.gather [hbm4b:s2+s3], $0x80, v4, vm0, $0xb8;
	[tilespmem:$0x18080] =	vst v63  }
0x1d7: {  	_ = 	snop  }
0x1d8: {  	[tilespmem:s10], [sflag:$0x2] =	stream.indirect_vreg.gather [hbm4b:s4+s3], $0x80, v4, vm1, $0xb8;
	[tilespmem:$0x18080] =	vst v63  }
0x1d9: {  	_ = 	snop  }
0x1da: {  	[tilespmem:s11], [sflag:$0x2] =	stream.indirect_vreg.gather [hbm4b:s2+s3], $0x80, v3, vm0, $0xb8;
	[tilespmem:$0x18080] =	vst v63  }
0x1db: {  	_ = 	snop  }
0x1dc: {  	[tilespmem:s12], [sflag:$0x2] =	stream.indirect_vreg.gather [hbm4b:s4+s3], $0x80, v3, vm1, $0xb8;
	[tilespmem:$0x18080] =	vst v63  }
0x1dd: {  	v3 =	vld [tilespmem:$0x20];
	_ =	sdelay $0x4  }
0x1de: {  	v50 =	vshrl.u32 v3, $0x3  }
0x1df: {  	v4 =	vmul.u32 $0x18, v50  }
0x1e0: {  	v3 =	vand.u32 $0x7, v3  }
0x1e1: {  	v3 =	vor.u32 v3, v4  }
0x1e2: {  	v4 =	vperm.xlane v3, v0;
	_ =	sdelay $0x1  }
0x1e3: {  	v4 =	vadd.s32 v1, v4;
	_ =	sdelay $0x1  }
0x1e4: {  	v3 =	vperm.xlane v3, v2;
	_ =	sdelay $0x1  }
0x1e5: {  	v3 =	vadd.s32 v1, v3  }
0x1e6: {  	[tilespmem:s13], [sflag:$0x2] =	stream.indirect_vreg.gather [hbm4b:s2+s3], $0x80, v4, vm0, $0xb8;
	[tilespmem:$0x18080] =	vst v63  }
0x1e7: {  	_ = 	snop  }
0x1e8: {  	[tilespmem:s15], [sflag:$0x2] =	stream.indirect_vreg.gather [hbm4b:s4+s3], $0x80, v4, vm1, $0xb8;
	[tilespmem:$0x18080] =	vst v63  }
0x1e9: {  	_ = 	snop  }
0x1ea: {  	[tilespmem:s18], [sflag:$0x2] =	stream.indirect_vreg.gather [hbm4b:s2+s3], $0x80, v3, vm0, $0xb8;
	[tilespmem:$0x18080] =	vst v63  }
0x1eb: {  	_ = 	snop  }
0x1ec: {  	[tilespmem:s19], [sflag:$0x2] =	stream.indirect_vreg.gather [hbm4b:s4+s3], $0x80, v3, vm1, $0xb8;
	[tilespmem:$0x18080] =	vst v63  }
0x1ed: {  	v3 =	vld [tilespmem:$0x30];
	_ =	sdelay $0x4  }
0x1ee: {  	v51 =	vshrl.u32 v3, $0x3  }
0x1ef: {  	v4 =	vmul.u32 $0x18, v51  }
0x1f0: {  	v3 =	vand.u32 $0x7, v3  }
0x1f1: {  	v3 =	vor.u32 v3, v4  }
0x1f2: {  	v4 =	vperm.xlane v3, v0;
	_ =	sdelay $0x1  }
0x1f3: {  	v4 =	vadd.s32 v1, v4;
	_ =	sdelay $0x1  }
0x1f4: {  	v3 =	vperm.xlane v3, v2;
	_ =	sdelay $0x1  }
0x1f5: {  	v3 =	vadd.s32 v1, v3  }
0x1f6: {  	[tilespmem:s20], [sflag:$0x2] =	stream.indirect_vreg.gather [hbm4b:s2+s3], $0x80, v4, vm0, $0xb8;
	[tilespmem:$0x18080] =	vst v63  }
0x1f7: {  	_ = 	snop  }
0x1f8: {  	[tilespmem:s21], [sflag:$0x2] =	stream.indirect_vreg.gather [hbm4b:s4+s3], $0x80, v4, vm1, $0xb8;
	[tilespmem:$0x18080] =	vst v63  }
0x1f9: {  	_ = 	snop  }
0x1fa: {  	[tilespmem:s22], [sflag:$0x2] =	stream.indirect_vreg.gather [hbm4b:s2+s3], $0x80, v3, vm0, $0xb8;
	[tilespmem:$0x18080] =	vst v63  }
0x1fb: {  	_ = 	snop  }
0x1fc: {  	[tilespmem:s23], [sflag:$0x2] =	stream.indirect_vreg.gather [hbm4b:s4+s3], $0x80, v3, vm1, $0xb8;
	[tilespmem:$0x18080] =	vst v63  }
0x1fd: {  	v3 =	vld [tilespmem:$0x40];
	_ =	sdelay $0x4  }
0x1fe: {  	v52 =	vshrl.u32 v3, $0x3  }
0x1ff: {  	v4 =	vmul.u32 $0x18, v52  }
0x200: {  	v3 =	vand.u32 $0x7, v3  }
0x201: {  	v3 =	vor.u32 v3, v4  }
0x202: {  	v4 =	vperm.xlane v3, v0;
	_ =	sdelay $0x1  }
0x203: {  	v4 =	vadd.s32 v1, v4;
	_ =	sdelay $0x1  }
0x204: {  	v3 =	vperm.xlane v3, v2;
	_ =	sdelay $0x1  }
0x205: {  	v3 =	vadd.s32 v1, v3  }
0x206: {  	[tilespmem:s24], [sflag:$0x2] =	stream.indirect_vreg.gather [hbm4b:s2+s3], $0x80, v4, vm0, $0xb8;
	[tilespmem:$0x18080] =	vst v63  }
0x207: {  	_ = 	snop  }
0x208: {  	[tilespmem:s25], [sflag:$0x2] =	stream.indirect_vreg.gather [hbm4b:s4+s3], $0x80, v4, vm1, $0xb8;
	[tilespmem:$0x18080] =	vst v63  }
0x209: {  	_ = 	snop  }
0x20a: {  	[tilespmem:s26], [sflag:$0x2] =	stream.indirect_vreg.gather [hbm4b:s2+s3], $0x80, v3, vm0, $0xb8;
	[tilespmem:$0x18080] =	vst v63  }
0x20b: {  	_ = 	snop  }
0x20c: {  	[tilespmem:s28], [sflag:$0x2] =	stream.indirect_vreg.gather [hbm4b:s4+s3], $0x80, v3, vm1, $0xb8;
	[tilespmem:$0x18080] =	vst v63  }
0x20d: {  	v3 =	vld [tilespmem:$0x50];
	_ =	sdelay $0x4  }
0x20e: {  	v53 =	vshrl.u32 v3, $0x3  }
0x20f: {  	v4 =	vmul.u32 $0x18, v53  }
0x210: {  	v3 =	vand.u32 $0x7, v3  }
0x211: {  	v3 =	vor.u32 v3, v4  }
0x212: {  	v4 =	vperm.xlane v3, v0;
	_ =	sdelay $0x1  }
0x213: {  	v4 =	vadd.s32 v1, v4;
	_ =	sdelay $0x1  }
0x214: {  	v3 =	vperm.xlane v3, v2;
	_ =	sdelay $0x1  }
0x215: {  	v3 =	vadd.s32 v1, v3  }
0x216: {  	[tilespmem:s29], [sflag:$0x2] =	stream.indirect_vreg.gather [hbm4b:s2+s3], $0x80, v4, vm0, $0xb8;
	[tilespmem:$0x18080] =	vst v63  }
0x217: {  	_ = 	snop  }
0x218: {  	[tilespmem:s30], [sflag:$0x2] =	stream.indirect_vreg.gather [hbm4b:s4+s3], $0x80, v4, vm1, $0xb8;
	[tilespmem:$0x18080] =	vst v63  }
0x219: {  	_ = 	snop  }
0x21a: {  	[tilespmem:s31], [sflag:$0x2] =	stream.indirect_vreg.gather [hbm4b:s2+s3], $0x80, v3, vm0, $0xb8;
	[tilespmem:$0x18080] =	vst v63  }
0x21b: {  	s17 =	simm.s32 $0x14C80  }
0x21c: {  	[tilespmem:s17], [sflag:$0x2] =	stream.indirect_vreg.gather [hbm4b:s4+s3], $0x80, v3, vm1, $0xb8;
	[tilespmem:$0x18080] =	vst v63  }
0x21d: {  	v3 =	vld [tilespmem:$0x60];
	_ =	sdelay $0x4  }
0x21e: {  	v54 =	vshrl.u32 v3, $0x3  }
0x21f: {  	v4 =	vmul.u32 $0x18, v54  }
0x220: {  	v3 =	vand.u32 $0x7, v3  }
0x221: {  	v3 =	vor.u32 v3, v4  }
0x222: {  	v4 =	vperm.xlane v3, v0;
	_ =	sdelay $0x1  }
0x223: {  	v4 =	vadd.s32 v1, v4;
	_ =	sdelay $0x1  }
0x224: {  	v3 =	vperm.xlane v3, v2;
	_ =	sdelay $0x1  }
0x225: {  	s17 =	simm.s32 $0x15080;
	v3 =	vadd.s32 v1, v3  }
0x226: {  	[tilespmem:s17], [sflag:$0x2] =	stream.indirect_vreg.gather [hbm4b:s2+s3], $0x80, v4, vm0, $0xb8;
	[tilespmem:$0x18080] =	vst v63  }
0x227: {  	s17 =	simm.s32 $0x15880  }
0x228: {  	[tilespmem:s17], [sflag:$0x2] =	stream.indirect_vreg.gather [hbm4b:s4+s3], $0x80, v4, vm1, $0xb8;
	[tilespmem:$0x18080] =	vst v63  }
0x229: {  	s17 =	simm.s32 $0x15C80  }
0x22a: {  	[tilespmem:s17], [sflag:$0x2] =	stream.indirect_vreg.gather [hbm4b:s2+s3], $0x80, v3, vm0, $0xb8;
	[tilespmem:$0x18080] =	vst v63  }
0x22b: {  	s17 =	simm.s32 $0x16480  }
0x22c: {  	[tilespmem:s17], [sflag:$0x2] =	stream.indirect_vreg.gather [hbm4b:s4+s3], $0x80, v3, vm1, $0xb8;
	[tilespmem:$0x18080] =	vst v63  }
0x22d: {  	v3 =	vld [tilespmem:$0x70];
	_ =	sdelay $0x4  }
0x22e: {  	v55 =	vshrl.u32 v3, $0x3  }
0x22f: {  	v4 =	vmul.u32 $0x18, v55  }
0x230: {  	v3 =	vand.u32 $0x7, v3  }
0x231: {  	v3 =	vor.u32 v3, v4  }
0x232: {  	v4 =	vperm.xlane v3, v0;
	_ =	sdelay $0x1  }
0x233: {  	v4 =	vadd.s32 v1, v4;
	_ =	sdelay $0x1  }
0x234: {  	v3 =	vperm.xlane v3, v2;
	_ =	sdelay $0x1  }
0x235: {  	s17 =	simm.s32 $0x16880;
	v3 =	vadd.s32 v1, v3  }
0x236: {  	[tilespmem:s17], [sflag:$0x2] =	stream.indirect_vreg.gather [hbm4b:s2+s3], $0x80, v4, vm0, $0xb8;
	[tilespmem:$0x18080] =	vst v63  }
0x237: {  	s17 =	simm.s32 $0x17080  }
0x238: {  	[tilespmem:s17], [sflag:$0x2] =	stream.indirect_vreg.gather [hbm4b:s4+s3], $0x80, v4, vm1, $0xb8;
	[tilespmem:$0x18080] =	vst v63  }
0x239: {  	s17 =	simm.s32 $0x17480  }
0x23a: {  	[tilespmem:s17], [sflag:$0x2] =	stream.indirect_vreg.gather [hbm4b:s2+s3], $0x80, v3, vm0, $0xb8;
	[tilespmem:$0x18080] =	vst v63  }
0x23b: {  	s17 =	simm.s32 $0x17C80  }
0x23c: {  	[tilespmem:s17], [sflag:$0x2] =	stream.indirect_vreg.gather [hbm4b:s4+s3], $0x80, v3, vm1, $0xb8;
	[tilespmem:$0x18080] =	vst v63  }
0x23d: {  	_ =	swait.ge [sflag:s14], $0xC000  }
0x23e: {  	[sflag:s14] =	ssyncset.done $0x0  }
0x23f: {  	s7 =	rddreg [dreg:$0xa];
	[sflag:s14] =	ssyncadd.s32 $0xFFFF4000  }
0x240: {  	[hbm4b:s7+s3] =	stream.linear.scatter [tilespmem:s0], [sflag:$0x3], $0xC000, $0x38;
	[tilespmem:$0x18080] =	vst v63  }
0x241: {  	_ =	swait.ge [sflag:s6], $0xC000  }
0x242: {  	[sflag:s6] =	ssyncset.done $0x0  }
0x243: {  	s0 =	rddreg [dreg:$0xb];
	[sflag:s6] =	ssyncadd.s32 $0xFFFF4000  }
0x244: {  	[tilespmem:s3], [sflag:$0x3] =	stream.linear.gather [hbm4b:s0+s3], $0x80, $0x38;
	[tilespmem:$0x18080] =	vst v63  }
0x245: {  	_ =	swait.ge [sflag:s6], $0x80  }
0x246: {  	[sflag:s6] =	ssyncset.done $0x0  }
0x247: {  	[sflag:s6] =	ssyncadd.s32 $0xFFFFFF80  }
0x248: {  	v3 =	vld [tilespmem:$0x0];
	_ =	sdelay $0x4  }
0x249: {  	v56 =	vshrl.u32 v3, $0x3  }
0x24a: {  	v4 =	vmul.u32 $0x18, v56  }
0x24b: {  	v3 =	vand.u32 $0x7, v3  }
0x24c: {  	v3 =	vor.u32 v3, v4  }
0x24d: {  	v4 =	vperm.xlane v3, v0;
	_ =	sdelay $0x1  }
0x24e: {  	v4 =	vadd.s32 v1, v4;
	_ =	sdelay $0x1  }
0x24f: {  	v3 =	vperm.xlane v3, v2;
	_ =	sdelay $0x1  }
0x250: {  	v3 =	vadd.s32 v1, v3  }
0x251: {  	[tilespmem:s16], [sflag:$0x1] =	stream.indirect_vreg.gather [hbm4b:s2+s3], $0x80, v4, vm0, $0xb8;
	[tilespmem:$0x18080] =	vst v63  }
0x252: {  	s7 =	simm.s32 $0x880  }
0x253: {  	[tilespmem:s7], [sflag:$0x1] =	stream.indirect_vreg.gather [hbm4b:s4+s3], $0x80, v4, vm1, $0xb8;
	[tilespmem:$0x18080] =	vst v63  }
0x254: {  	s14 =	simm.s32 $0xC80  }
0x255: {  	[tilespmem:s14], [sflag:$0x1] =	stream.indirect_vreg.gather [hbm4b:s2+s3], $0x80, v3, vm0, $0xb8;
	[tilespmem:$0x18080] =	vst v63  }
0x256: {  	s17 =	simm.s32 $0x1480  }
0x257: {  	[tilespmem:s17], [sflag:$0x1] =	stream.indirect_vreg.gather [hbm4b:s4+s3], $0x80, v3, vm1, $0xb8;
	[tilespmem:$0x18080] =	vst v63  }
0x258: {  	v3 =	vld [tilespmem:$0x10];
	_ =	sdelay $0x4  }
0x259: {  	v57 =	vshrl.u32 v3, $0x3  }
0x25a: {  	v4 =	vmul.u32 $0x18, v57  }
0x25b: {  	v3 =	vand.u32 $0x7, v3  }
0x25c: {  	v3 =	vor.u32 v3, v4  }
0x25d: {  	v4 =	vperm.xlane v3, v0;
	_ =	sdelay $0x1  }
0x25e: {  	v4 =	vadd.s32 v1, v4;
	_ =	sdelay $0x1  }
0x25f: {  	v3 =	vperm.xlane v3, v2;
	_ =	sdelay $0x1  }
0x260: {  	s7 =	simm.s32 $0x1880;
	v3 =	vadd.s32 v1, v3  }
0x261: {  	[tilespmem:s7], [sflag:$0x1] =	stream.indirect_vreg.gather [hbm4b:s2+s3], $0x80, v4, vm0, $0xb8;
	[tilespmem:$0x18080] =	vst v63  }
0x262: {  	s14 =	simm.s32 $0x2080  }
0x263: {  	[tilespmem:s14], [sflag:$0x1] =	stream.indirect_vreg.gather [hbm4b:s4+s3], $0x80, v4, vm1, $0xb8;
	[tilespmem:$0x18080] =	vst v63  }
0x264: {  	s17 =	simm.s32 $0x2480  }
0x265: {  	[tilespmem:s17], [sflag:$0x1] =	stream.indirect_vreg.gather [hbm4b:s2+s3], $0x80, v3, vm0, $0xb8;
	[tilespmem:$0x18080] =	vst v63  }
0x266: {  	s7 =	simm.s32 $0x2C80  }
0x267: {  	[tilespmem:s7], [sflag:$0x1] =	stream.indirect_vreg.gather [hbm4b:s4+s3], $0x80, v3, vm1, $0xb8;
	[tilespmem:$0x18080] =	vst v63  }
0x268: {  	v3 =	vld [tilespmem:$0x20];
	_ =	sdelay $0x4  }
0x269: {  	v58 =	vshrl.u32 v3, $0x3  }
0x26a: {  	v4 =	vmul.u32 $0x18, v58  }
0x26b: {  	v3 =	vand.u32 $0x7, v3  }
0x26c: {  	v3 =	vor.u32 v3, v4  }
0x26d: {  	v4 =	vperm.xlane v3, v0;
	_ =	sdelay $0x1  }
0x26e: {  	v4 =	vadd.s32 v1, v4;
	_ =	sdelay $0x1  }
0x26f: {  	v3 =	vperm.xlane v3, v2;
	_ =	sdelay $0x1  }
0x270: {  	s14 =	simm.s32 $0x3080;
	v3 =	vadd.s32 v1, v3  }
0x271: {  	[tilespmem:s14], [sflag:$0x1] =	stream.indirect_vreg.gather [hbm4b:s2+s3], $0x80, v4, vm0, $0xb8;
	[tilespmem:$0x18080] =	vst v63  }
0x272: {  	s17 =	simm.s32 $0x3880  }
0x273: {  	[tilespmem:s17], [sflag:$0x1] =	stream.indirect_vreg.gather [hbm4b:s4+s3], $0x80, v4, vm1, $0xb8;
	[tilespmem:$0x18080] =	vst v63  }
0x274: {  	s7 =	simm.s32 $0x3C80  }
0x275: {  	[tilespmem:s7], [sflag:$0x1] =	stream.indirect_vreg.gather [hbm4b:s2+s3], $0x80, v3, vm0, $0xb8;
	[tilespmem:$0x18080] =	vst v63  }
0x276: {  	s14 =	simm.s32 $0x4480  }
0x277: {  	[tilespmem:s14], [sflag:$0x1] =	stream.indirect_vreg.gather [hbm4b:s4+s3], $0x80, v3, vm1, $0xb8;
	[tilespmem:$0x18080] =	vst v63  }
0x278: {  	v3 =	vld [tilespmem:$0x30];
	_ =	sdelay $0x4  }
0x279: {  	v59 =	vshrl.u32 v3, $0x3  }
0x27a: {  	v4 =	vmul.u32 $0x18, v59  }
0x27b: {  	v3 =	vand.u32 $0x7, v3  }
0x27c: {  	v3 =	vor.u32 v3, v4  }
0x27d: {  	v4 =	vperm.xlane v3, v0;
	_ =	sdelay $0x1  }
0x27e: {  	v4 =	vadd.s32 v1, v4;
	_ =	sdelay $0x1  }
0x27f: {  	v3 =	vperm.xlane v3, v2;
	_ =	sdelay $0x1  }
0x280: {  	s17 =	simm.s32 $0x4880;
	v3 =	vadd.s32 v1, v3  }
0x281: {  	[tilespmem:s17], [sflag:$0x1] =	stream.indirect_vreg.gather [hbm4b:s2+s3], $0x80, v4, vm0, $0xb8;
	[tilespmem:$0x18080] =	vst v63  }
0x282: {  	s7 =	simm.s32 $0x5080  }
0x283: {  	[tilespmem:s7], [sflag:$0x1] =	stream.indirect_vreg.gather [hbm4b:s4+s3], $0x80, v4, vm1, $0xb8;
	[tilespmem:$0x18080] =	vst v63  }
0x284: {  	s14 =	simm.s32 $0x5480  }
0x285: {  	[tilespmem:s14], [sflag:$0x1] =	stream.indirect_vreg.gather [hbm4b:s2+s3], $0x80, v3, vm0, $0xb8;
	[tilespmem:$0x18080] =	vst v63  }
0x286: {  	s17 =	simm.s32 $0x5C80  }
0x287: {  	[tilespmem:s17], [sflag:$0x1] =	stream.indirect_vreg.gather [hbm4b:s4+s3], $0x80, v3, vm1, $0xb8;
	[tilespmem:$0x18080] =	vst v63  }
0x288: {  	v3 =	vld [tilespmem:$0x40];
	_ =	sdelay $0x4  }
0x289: {  	v60 =	vshrl.u32 v3, $0x3  }
0x28a: {  	v4 =	vmul.u32 $0x18, v60  }
0x28b: {  	v3 =	vand.u32 $0x7, v3  }
0x28c: {  	v3 =	vor.u32 v3, v4  }
0x28d: {  	v4 =	vperm.xlane v3, v0;
	_ =	sdelay $0x1  }
0x28e: {  	v4 =	vadd.s32 v1, v4;
	_ =	sdelay $0x1  }
0x28f: {  	v3 =	vperm.xlane v3, v2;
	_ =	sdelay $0x1  }
0x290: {  	s7 =	simm.s32 $0x6080;
	v3 =	vadd.s32 v1, v3  }
0x291: {  	[tilespmem:s7], [sflag:$0x1] =	stream.indirect_vreg.gather [hbm4b:s2+s3], $0x80, v4, vm0, $0xb8;
	[tilespmem:$0x18080] =	vst v63  }
0x292: {  	s14 =	simm.s32 $0x6880  }
0x293: {  	[tilespmem:s14], [sflag:$0x1] =	stream.indirect_vreg.gather [hbm4b:s4+s3], $0x80, v4, vm1, $0xb8;
	[tilespmem:$0x18080] =	vst v63  }
0x294: {  	s17 =	simm.s32 $0x6C80  }
0x295: {  	[tilespmem:s17], [sflag:$0x1] =	stream.indirect_vreg.gather [hbm4b:s2+s3], $0x80, v3, vm0, $0xb8;
	[tilespmem:$0x18080] =	vst v63  }
0x296: {  	s7 =	simm.s32 $0x7480  }
0x297: {  	[tilespmem:s7], [sflag:$0x1] =	stream.indirect_vreg.gather [hbm4b:s4+s3], $0x80, v3, vm1, $0xb8;
	[tilespmem:$0x18080] =	vst v63  }
0x298: {  	v3 =	vld [tilespmem:$0x50];
	_ =	sdelay $0x4  }
0x299: {  	v61 =	vshrl.u32 v3, $0x3  }
0x29a: {  	v4 =	vmul.u32 $0x18, v61  }
0x29b: {  	v3 =	vand.u32 $0x7, v3  }
0x29c: {  	v3 =	vor.u32 v3, v4  }
0x29d: {  	v4 =	vperm.xlane v3, v0;
	_ =	sdelay $0x1  }
0x29e: {  	v4 =	vadd.s32 v1, v4;
	_ =	sdelay $0x1  }
0x29f: {  	v3 =	vperm.xlane v3, v2;
	_ =	sdelay $0x1  }
0x2a0: {  	s14 =	simm.s32 $0x7880;
	v3 =	vadd.s32 v1, v3  }
0x2a1: {  	[tilespmem:s14], [sflag:$0x1] =	stream.indirect_vreg.gather [hbm4b:s2+s3], $0x80, v4, vm0, $0xb8;
	[tilespmem:$0x18080] =	vst v63  }
0x2a2: {  	s17 =	simm.s32 $0x8080  }
0x2a3: {  	[tilespmem:s17], [sflag:$0x1] =	stream.indirect_vreg.gather [hbm4b:s4+s3], $0x80, v4, vm1, $0xb8;
	[tilespmem:$0x18080] =	vst v63  }
0x2a4: {  	s7 =	simm.s32 $0x8480  }
0x2a5: {  	[tilespmem:s7], [sflag:$0x1] =	stream.indirect_vreg.gather [hbm4b:s2+s3], $0x80, v3, vm0, $0xb8;
	[tilespmem:$0x18080] =	vst v63  }
0x2a6: {  	s14 =	simm.s32 $0x8C80  }
0x2a7: {  	[tilespmem:s14], [sflag:$0x1] =	stream.indirect_vreg.gather [hbm4b:s4+s3], $0x80, v3, vm1, $0xb8;
	[tilespmem:$0x18080] =	vst v63  }
0x2a8: {  	v3 =	vld [tilespmem:$0x60];
	_ =	sdelay $0x4  }
0x2a9: {  	v62 =	vshrl.u32 v3, $0x3  }
0x2aa: {  	v4 =	vmul.u32 $0x18, v62  }
0x2ab: {  	v3 =	vand.u32 $0x7, v3  }
0x2ac: {  	v3 =	vor.u32 v3, v4  }
0x2ad: {  	v4 =	vperm.xlane v3, v0;
	_ =	sdelay $0x1  }
0x2ae: {  	v4 =	vadd.s32 v1, v4;
	_ =	sdelay $0x1  }
0x2af: {  	v3 =	vperm.xlane v3, v2;
	_ =	sdelay $0x1  }
0x2b0: {  	s17 =	simm.s32 $0x9080;
	v3 =	vadd.s32 v1, v3  }
0x2b1: {  	[tilespmem:s17], [sflag:$0x1] =	stream.indirect_vreg.gather [hbm4b:s2+s3], $0x80, v4, vm0, $0xb8;
	[tilespmem:$0x18080] =	vst v63  }
0x2b2: {  	s7 =	simm.s32 $0x9880  }
0x2b3: {  	[tilespmem:s7], [sflag:$0x1] =	stream.indirect_vreg.gather [hbm4b:s4+s3], $0x80, v4, vm1, $0xb8;
	[tilespmem:$0x18080] =	vst v63  }
0x2b4: {  	s14 =	simm.s32 $0x9C80  }
0x2b5: {  	[tilespmem:s14], [sflag:$0x1] =	stream.indirect_vreg.gather [hbm4b:s2+s3], $0x80, v3, vm0, $0xb8;
	[tilespmem:$0x18080] =	vst v63  }
0x2b6: {  	s17 =	simm.s32 $0xA480  }
0x2b7: {  	[tilespmem:s17], [sflag:$0x1] =	stream.indirect_vreg.gather [hbm4b:s4+s3], $0x80, v3, vm1, $0xb8;
	[tilespmem:$0x18080] =	vst v63  }
0x2b8: {  	v3 =	vld [tilespmem:$0x70];
	_ =	sdelay $0x4  }
0x2b9: {  	v63 =	vshrl.u32 v3, $0x3  }
0x2ba: {  	v4 =	vmul.u32 $0x18, v63  }
0x2bb: {  	v3 =	vand.u32 $0x7, v3  }
0x2bc: {  	v3 =	vor.u32 v3, v4  }
0x2bd: {  	v4 =	vperm.xlane v3, v0;
	_ =	sdelay $0x1  }
0x2be: {  	v4 =	vadd.s32 v1, v4;
	_ =	sdelay $0x1  }
0x2bf: {  	v3 =	vperm.xlane v3, v2;
	_ =	sdelay $0x1  }
0x2c0: {  	s7 =	simm.s32 $0xA880;
	v3 =	vadd.s32 v1, v3  }
0x2c1: {  	[tilespmem:s7], [sflag:$0x1] =	stream.indirect_vreg.gather [hbm4b:s2+s3], $0x80, v4, vm0, $0xb8;
	[tilespmem:$0x18080] =	vst v63  }
0x2c2: {  	s14 =	simm.s32 $0xB080  }
0x2c3: {  	[tilespmem:s14], [sflag:$0x1] =	stream.indirect_vreg.gather [hbm4b:s4+s3], $0x80, v4, vm1, $0xb8;
	[tilespmem:$0x18080] =	vst v63  }
0x2c4: {  	s17 =	simm.s32 $0xB480  }
0x2c5: {  	[tilespmem:s17], [sflag:$0x1] =	stream.indirect_vreg.gather [hbm4b:s2+s3], $0x80, v3, vm0, $0xb8;
	[tilespmem:$0x18080] =	vst v63  }
0x2c6: {  	s7 =	simm.s32 $0xBC80  }
0x2c7: {  	[tilespmem:s7], [sflag:$0x1] =	stream.indirect_vreg.gather [hbm4b:s4+s3], $0x80, v3, vm1, $0xb8;
	[tilespmem:$0x18080] =	vst v63  }
0x2c8: {  	_ =	swait.ge [sflag:s1], $0xC000  }
0x2c9: {  	p0 =	sne.s32 s5, $0x1;
	[sflag:s1] =	ssyncset.done $0x0  }
.Ltmp0:
0x2ca: {  	s14 =	rddreg [dreg:$0xc];
	[sflag:s1] =	ssyncadd.s32 $0xFFFF4000;
	(pc) =	sbr.rel @p0 .LBB2_1-.Ltmp0, $4  }
0x2cb: {  	[hbm4b:s14+s3] =	stream.linear.scatter [tilespmem:s16], [sflag:$0x3], $0xC000, $0x38;
	[tilespmem:$0x18080] =	vst v63  }
0x2cc: {  	_ =	swait.ge [sflag:s6], $0xC000  }
0x2cd: {  	[sflag:s6] =	ssyncset.done $0x0  }
0x2ce: {  	s5 =	sadd.s32 $0xFFFFFFFF, s5;
	[sflag:s6] =	ssyncadd.s32 $0xFFFF4000  }
0x2cf: {  	_ =	sfence.sel $0x180000  }
0x2d0: {  	[bflag:$0x0] =	sbarrier.arrive $0xFFFF  }
0x2d1: {  	_ =	strace $0x90000047  }
0x2d2: {  	s0 =	stileid.u32;
	[bflag:$0x2] =	sbarrier.arrive $0xFFFF  }
0x2d3: {  	p0 =	sne.s32 s0, $0x0;
	s0 =	rddreg [dreg:$0x2]  }
0x2d4: {  	s0 =	sadd.s32 @!p0 $0x100000, s0  }
0x2d5: {  	[sflag:s0] =	ssyncadd.tile.s32 @!p0 $0x1;
	_ =	shalt  }
.Lfunc_end2:
_tile_overlayer_lowered:
.L_overlay_start_2:
0x2d6: {  	(tag) =	ssettag $0x2  }
0x2d7: {  	s0 =	rddreg [dreg:$0x0];
	s2 =	stileid.u32  }
0x2d8: {  	s1 =	rddreg [dreg:$0x1];
	p0 =	sne.s32 s2, $0x0  }
0x2d9: {  	s3 =	rddreg [dreg:$0x2];
	[bflag:$0x3] =	sbarrier.arrive $0xFFFF;
	s2 =	simm.s32 @!p0 $0x1C03  }
0x2da: {  	[timem:s3], [sflag:s2] =	dma.local @!p0 [hbm:s0], s1  }
0x2db: {  	s0 =	simm.s32 @!p0 $0x3  }
0x2dc: {  	_ =	swait.ge @!p0 [sflag:s0], s1  }
0x2dd: {  	s1 =	ssub.s32 @!p0 $0x0, s1;
	[sflag:s0] =	ssyncset.done @!p0 $0x0  }
0x2de: {  	[sflag:s0] =	ssyncadd.s32 @!p0 s1  }
0x2df: {  	[bflag:$0x3] =	sbarrier.arrive $0xFFFF  }
0x2e0: {  	_ =	shalt  }

</sc_bundles>
